<compile_context>
chip_gen: v7x
topology: tpu7x:2x2x1
jax: 0.10.2.dev20260603
libtpu: 0.0.44.dev20260713+nightly
codegen_flags: <defaults>
</compile_context>

<pallas_src>
import functools

import jax
import jax.numpy as jnp
from jax import lax
from jax.experimental import pallas as pl
from jax.experimental.pallas import tpu as pltpu
from jax.experimental.pallas import tpu_sc as plsc

D = 16
FEAT = 17
OUT_F = 32
S = 50
BB = 16384
B = S * BB


def _extract_tc(cond_t):
    sblk = 8
    grid = (pl.cdiv(S, sblk),)

    def body(x_ref, o_ref):
        o_ref[...] = x_ref[0].astype(jnp.int32)

    return pl.pallas_call(
        body,
        grid=grid,
        in_specs=[pl.BlockSpec((1, sblk, BB), lambda i: (FEAT - 1, i, 0))],
        out_specs=pl.BlockSpec((sblk, BB), lambda i: (i, 0)),
        out_shape=jax.ShapeDtypeStruct((S, BB), jnp.int32),
    )(cond_t)


def _gather_sc(table, idx128):
    info = plsc.get_sparse_core_info()
    NW = info.num_cores * info.num_subcores
    b_per_w = B // NW
    C = 1280
    n_chunks = b_per_w // C
    NIDX = C // 128

    mesh = plsc.VectorSubcoreMesh(core_axis_name="c", subcore_axis_name="s")

    @functools.partial(
        pl.kernel,
        out_type=jax.ShapeDtypeStruct((B, D), jnp.float32),
        mesh=mesh,
        scratch_types=[
            pltpu.VMEM((2 * NIDX, 128), jnp.int32),
            pltpu.VMEM((2, C, D), jnp.float32),
            pltpu.SemaphoreType.DMA,
            pltpu.SemaphoreType.DMA,
            pltpu.SemaphoreType.DMA,
            pltpu.SemaphoreType.DMA,
            pltpu.SemaphoreType.DMA,
            pltpu.SemaphoreType.DMA,
        ],
        compiler_params=pltpu.CompilerParams(use_tc_tiling_on_sc=False),
    )
    def k(table_hbm, idx_hbm, out_hbm, idx_v, emb_v, si0, si1, sg0, sg1, se0, se1):
        wid = lax.axis_index("s") * info.num_cores + lax.axis_index("c")
        w_base = wid * b_per_w
        si = (si0, si1)
        sg = (sg0, sg1)
        se = (se0, se1)

        def idx_copy(ci, b):
            return pltpu.make_async_copy(
                idx_hbm.at[pl.ds((w_base + ci * C) // 128, NIDX)],
                idx_v.at[pl.ds(b * NIDX, NIDX)],
                si[b],
            )

        idx_copy(0, 0).start()

        def super_body(it, _):
            for b in range(2):
                ci = 2 * it + b
                nb = 1 - b

                @pl.when(ci + 1 < n_chunks)
                def _():
                    idx_copy(ci + 1, nb).start()

                idx_copy(ci, b).wait()

                @pl.when(ci >= 2)
                def _():
                    pltpu.make_async_copy(
                        emb_v.at[b],
                        out_hbm.at[pl.ds(w_base + (ci - 2) * C, C)],
                        se[b],
                    ).wait()

                for g in range(NIDX):
                    pltpu.make_async_copy(
                        table_hbm.at[idx_v.at[b * NIDX + g]],
                        emb_v.at[b].at[pl.ds(g * 128, 128)],
                        sg[b],
                    ).start()
                for g in range(NIDX):
                    pltpu.make_async_copy(
                        table_hbm.at[idx_v.at[b * NIDX + g]],
                        emb_v.at[b].at[pl.ds(g * 128, 128)],
                        sg[b],
                    ).wait()

                pltpu.make_async_copy(
                    emb_v.at[b],
                    out_hbm.at[pl.ds(w_base + ci * C, C)],
                    se[b],
                ).start()
            return ()

        lax.fori_loop(0, n_chunks // 2, super_body, (), unroll=False)

        for b in range(2):
            ci = n_chunks - 2 + b
            pltpu.make_async_copy(
                emb_v.at[b],
                out_hbm.at[pl.ds(w_base + ci * C, C)],
                se[b],
            ).wait()

    return k(table, idx128)


def _cont_tc(cond_t):
    bblk = 2048
    sblk = 8
    grid = (BB // bblk, pl.cdiv(S, sblk))

    def body(c_ref, o_ref):
        cont = c_ref[...]
        for s in range(sblk):
            o_ref[s, :, :] = cont[:, s, :]

    return pl.pallas_call(
        body,
        grid=grid,
        in_specs=[pl.BlockSpec((D, sblk, bblk), lambda j, i: (0, i, j))],
        out_specs=pl.BlockSpec((sblk, D, bblk), lambda j, i: (i, 0, j)),
        out_shape=jax.ShapeDtypeStruct((S, OUT_F, BB), jnp.float32),
    )(cond_t)


def _embfill_tc(emb4, out1):
    bblk = 2048
    sblk = 8
    grid = (BB // bblk, pl.cdiv(S, sblk))

    def body(e_ref, o_in_ref, o_ref):
        del o_in_ref
        for s in range(sblk):
            e = e_ref[s, 0]
            o_ref[s, :, :] = e.T

    return pl.pallas_call(
        body,
        grid=grid,
        in_specs=[
            pl.BlockSpec((sblk, 1, bblk, D), lambda j, i: (i, j, 0, 0)),
            pl.BlockSpec(memory_space=pltpu.MemorySpace.HBM),
        ],
        out_specs=pl.BlockSpec((sblk, D, bblk), lambda j, i: (i, 1, j)),
        out_shape=jax.ShapeDtypeStruct((S, OUT_F, BB), jnp.float32),
        input_output_aliases={1: 0},
    )(emb4, out1)


def kernel(cond, table):
    cond_t = jnp.transpose(cond, (2, 1, 0))
    ids = _extract_tc(cond_t)
    idx128 = ids.reshape(B // 128, 128)
    out1 = _cont_tc(cond_t)
    emb = _gather_sc(table, idx128)
    emb4 = emb.reshape(S, BB // 2048, 2048, D)
    out_t = _embfill_tc(emb4, out1)
    return jnp.transpose(out_t, (2, 0, 1))

# --- scband reference (transcript-rebuilt; emitter-appended) ---
"""Pipeline reference for scband-particle-embedding-7129645711413 (READ-ONLY COPY).

The authoritative reference and input builder live on the scoring server;
editing this copy changes nothing except your own understanding.
"""

import jax, jax.numpy as jnp
import numpy as np

NUM_EMBEDDINGS = 1000000
EMBEDDING_DIM = 16
BATCH = 16384
SEQ = 50
FEAT = 17

def setup_inputs(seed: int = 0) -> dict:
    key = jax.random.key(seed)
    k1, k2 = jax.random.split(key)
    # cond: last channel holds categorical ids (stored as float, cast to int in forward)
    cond = jax.random.randint(k1, (BATCH, SEQ, FEAT), 0, NUM_EMBEDDINGS).astype(jnp.float32)
    # learned embedding table (nn.Embed parameter)
    table = jax.random.normal(k2, (NUM_EMBEDDINGS, EMBEDDING_DIM), dtype=jnp.float32) * 0.02
    return {"cond": cond, "table": table}

def reference(cond, table):
    # split continuous features and categorical index channel
    cont = cond[..., :-1]
    cat = cond[..., -1].astype(jnp.int32)
    # embedding lookup: gather rows from table
    emb = jnp.take(table, cat, axis=0)
    # Concatenate()(cond, emb) -> concat along last axis
    return jnp.concatenate([cont, emb], axis=-1)

if __name__ == "__main__":
    import jax
    _d = setup_inputs()
    print(jax.jit(kernel)(*tuple(_d.values())))

</pallas_src>

<mosaic_0001>
#map = affine_map<(d0, d1) -> (0, 0)>
module attributes {stable_mosaic.version = 14 : i64} {
  func.func @k(%arg0: i32, %arg1: i32, %arg2: memref<1000000x16xf32, #tpu.memory_space<hbm>>, %arg3: memref<6400x128xi32, #tpu.memory_space<hbm>>, %arg4: memref<819200x16xf32, #tpu.memory_space<hbm>>, %arg5: memref<20x128xi32, #tpu.memory_space<vmem>>, %arg6: memref<2x1280x16xf32, #tpu.memory_space<vmem>>, %arg7: memref<!tpu.dma_semaphore, #tpu.memory_space<semaphore_mem>>, %arg8: memref<!tpu.dma_semaphore, #tpu.memory_space<semaphore_mem>>, %arg9: memref<!tpu.dma_semaphore, #tpu.memory_space<semaphore_mem>>, %arg10: memref<!tpu.dma_semaphore, #tpu.memory_space<semaphore_mem>>, %arg11: memref<!tpu.dma_semaphore, #tpu.memory_space<semaphore_mem>>, %arg12: memref<!tpu.dma_semaphore, #tpu.memory_space<semaphore_mem>>) attributes {dimension_semantics = [#tpu.dimension_semantics<core_parallel>, #tpu.dimension_semantics<subcore_parallel>], iteration_bounds = array<i64: 2, 16>, scalar_prefetch = 0 : i64, scratch_operands = 8 : i64, tpu.core_type = #tpu.core_type<sc_vector_subcore>, window_params = [{transform_indices = #map}, {transform_indices = #map}, {transform_indices = #map}]} {
    %mul3A = arith.constant 2 : i32
    %mul3A_0 = arith.muli %arg1, %mul3A : i32
    %add3A = arith.addi %mul3A_0, %arg0 : i32
    %mul3A_1 = arith.constant 25600 : i32
    %mul3A_2 = arith.muli %add3A, %mul3A_1 : i32
    %add3A_3 = arith.constant 0 : i32
    %add3A_4 = arith.addi %mul3A_2, %add3A_3 : i32
    %jit3A = arith.constant 128 : i32
    %div3A = arith.divsi %add3A_4, %jit3A : i32
    %sign3A = arith.constant 0 : i32
    %sign3A_5 = arith.cmpi sgt, %add3A_4, %sign3A : i32
    %sign3A_6 = arith.extui %sign3A_5 : i1 to i32
    %sign3A_7 = arith.constant 0 : i32
    %sign3A_8 = arith.cmpi slt, %add3A_4, %sign3A_7 : i32
    %sign3A_9 = arith.extui %sign3A_8 : i1 to i32
    %sign3A_10 = arith.subi %sign3A_6, %sign3A_9 : i32
    %sign3A_11 = arith.constant 0 : i32
    %sign3A_12 = arith.cmpi sgt, %jit3A, %sign3A_11 : i32
    %sign3A_13 = arith.extui %sign3A_12 : i1 to i32
    %sign3A_14 = arith.constant 0 : i32
    %sign3A_15 = arith.cmpi slt, %jit3A, %sign3A_14 : i32
    %sign3A_16 = arith.extui %sign3A_15 : i1 to i32
    %sign3A_17 = arith.subi %sign3A_13, %sign3A_16 : i32
    %ne3A = arith.cmpi ne, %sign3A_10, %sign3A_17 : i32
    %rem3A = arith.remsi %add3A_4, %jit3A : i32
    %ne3A_18 = arith.constant 0 : i32
    %ne3A_19 = arith.cmpi ne, %rem3A, %ne3A_18 : i32
    %and3A = arith.andi %ne3A, %ne3A_19 : i1
    %sub3A = arith.constant 1 : i32
    %sub3A_20 = arith.subi %div3A, %sub3A : i32
    %select_n3A = arith.select %and3A, %sub3A_20, %div3A : i32
    %dma_start3A = arith.constant 0 : i32
    %dma_start3A_21 = arith.constant 0 : i32
    %dma_start3A_22 = tpu.memref_slice %arg5[%dma_start3A, %dma_start3A_21] : memref<20x128xi32, #tpu.memory_space<vmem>> -> memref<10x128xi32, #tpu.memory_space<vmem>>
    %dma_start3A_23 = arith.constant 0 : i32
    %dma_start3A_24 = tpu.memref_slice %arg3[%select_n3A, %dma_start3A_23] : memref<6400x128xi32, #tpu.memory_space<hbm>> -> memref<10x128xi32, #tpu.memory_space<hbm>>
    %dma_start3A_25 = arith.constant 0 : i32
    %dma_start3A_26 = arith.constant 0 : i32
    %dma_start3A_27 = tpu.memref_slice %arg5[%dma_start3A_25, %dma_start3A_26] : memref<20x128xi32, #tpu.memory_space<vmem>> -> memref<10x128xi32, #tpu.memory_space<vmem>>
    %dma_start3A_28 = arith.constant 0 : i32
    %dma_start3A_29 = tpu.memref_slice %arg3[%select_n3A, %dma_start3A_28] : memref<6400x128xi32, #tpu.memory_space<hbm>> -> memref<10x128xi32, #tpu.memory_space<hbm>>
    tpu.enqueue_dma source(%dma_start3A_29 : memref<10x128xi32, #tpu.memory_space<hbm>>) target(%dma_start3A_27 : memref<10x128xi32, #tpu.memory_space<vmem>>) target_semaphore(%arg7 : memref<!tpu.dma_semaphore, #tpu.memory_space<semaphore_mem>>)
    %scan3A = arith.constant 0 : i32
    %scan3A_30 = arith.constant 10 : i32
    %scan3A_31 = arith.addi %scan3A, %scan3A_30 : i32
    %scan3A_32 = arith.constant 1 : i32
    scf.for %scan3A_63 = %scan3A to %scan3A_31 step %scan3A_32  : i32 {
      %mul3A_64 = arith.constant 2 : i32
      %mul3A_65 = arith.muli %mul3A_64, %scan3A_63 : i32
      %add3A_66 = arith.constant 0 : i32
      %add3A_67 = arith.addi %mul3A_65, %add3A_66 : i32
      %add3A_68 = arith.constant 1 : i32
      %add3A_69 = arith.addi %add3A_67, %add3A_68 : i32
      %lt3A = arith.constant 20 : i32
      %lt3A_70 = arith.cmpi slt, %add3A_69, %lt3A : i32
      %convert_element_type3A = arith.extui %lt3A_70 : i1 to i32
      %cond3A = arith.constant 0 : i32
      %cond3A_71 = arith.cmpi ne, %convert_element_type3A, %cond3A : i32
      scf.if %cond3A_71 {
        %add3A_798 = arith.constant 1 : i32
        %add3A_799 = arith.addi %add3A_67, %add3A_798 : i32
        %mul3A_800 = arith.constant 1280 : i32
        %mul3A_801 = arith.muli %add3A_799, %mul3A_800 : i32
        %add3A_802 = arith.addi %mul3A_2, %mul3A_801 : i32
        %jit3A_803 = arith.constant 128 : i32
        %div3A_804 = arith.divsi %add3A_802, %jit3A_803 : i32
        %sign3A_805 = arith.constant 0 : i32
        %sign3A_806 = arith.cmpi sgt, %add3A_802, %sign3A_805 : i32
        %sign3A_807 = arith.extui %sign3A_806 : i1 to i32
        %sign3A_808 = arith.constant 0 : i32
        %sign3A_809 = arith.cmpi slt, %add3A_802, %sign3A_808 : i32
        %sign3A_810 = arith.extui %sign3A_809 : i1 to i32
        %sign3A_811 = arith.subi %sign3A_807, %sign3A_810 : i32
        %sign3A_812 = arith.constant 0 : i32
        %sign3A_813 = arith.cmpi sgt, %jit3A_803, %sign3A_812 : i32
        %sign3A_814 = arith.extui %sign3A_813 : i1 to i32
        %sign3A_815 = arith.constant 0 : i32
        %sign3A_816 = arith.cmpi slt, %jit3A_803, %sign3A_815 : i32
        %sign3A_817 = arith.extui %sign3A_816 : i1 to i32
        %sign3A_818 = arith.subi %sign3A_814, %sign3A_817 : i32
        %ne3A_819 = arith.cmpi ne, %sign3A_811, %sign3A_818 : i32
        %rem3A_820 = arith.remsi %add3A_802, %jit3A_803 : i32
        %ne3A_821 = arith.constant 0 : i32
        %ne3A_822 = arith.cmpi ne, %rem3A_820, %ne3A_821 : i32
        %and3A_823 = arith.andi %ne3A_819, %ne3A_822 : i1
        %sub3A_824 = arith.constant 1 : i32
        %sub3A_825 = arith.subi %div3A_804, %sub3A_824 : i32
        %select_n3A_826 = arith.select %and3A_823, %sub3A_825, %div3A_804 : i32
        %dma_start3A_827 = arith.constant 10 : i32
        %dma_start3A_828 = arith.constant 0 : i32
        %dma_start3A_829 = tpu.memref_slice %arg5[%dma_start3A_827, %dma_start3A_828] : memref<20x128xi32, #tpu.memory_space<vmem>> -> memref<10x128xi32, #tpu.memory_space<vmem>>
        %dma_start3A_830 = arith.constant 0 : i32
        %dma_start3A_831 = tpu.memref_slice %arg3[%select_n3A_826, %dma_start3A_830] : memref<6400x128xi32, #tpu.memory_space<hbm>> -> memref<10x128xi32, #tpu.memory_space<hbm>>
        %dma_start3A_832 = arith.constant 10 : i32
        %dma_start3A_833 = arith.constant 0 : i32
        %dma_start3A_834 = tpu.memref_slice %arg5[%dma_start3A_832, %dma_start3A_833] : memref<20x128xi32, #tpu.memory_space<vmem>> -> memref<10x128xi32, #tpu.memory_space<vmem>>
        %dma_start3A_835 = arith.constant 0 : i32
        %dma_start3A_836 = tpu.memref_slice %arg3[%select_n3A_826, %dma_start3A_835] : memref<6400x128xi32, #tpu.memory_space<hbm>> -> memref<10x128xi32, #tpu.memory_space<hbm>>
        tpu.enqueue_dma source(%dma_start3A_836 : memref<10x128xi32, #tpu.memory_space<hbm>>) target(%dma_start3A_834 : memref<10x128xi32, #tpu.memory_space<vmem>>) target_semaphore(%arg8 : memref<!tpu.dma_semaphore, #tpu.memory_space<semaphore_mem>>)
      } else {
      }
      %mul3A_72 = arith.constant 1280 : i32
      %mul3A_73 = arith.muli %add3A_67, %mul3A_72 : i32
      %add3A_74 = arith.addi %mul3A_2, %mul3A_73 : i32
      %jit3A_75 = arith.constant 128 : i32
      %div3A_76 = arith.divsi %add3A_74, %jit3A_75 : i32
      %sign3A_77 = arith.constant 0 : i32
      %sign3A_78 = arith.cmpi sgt, %add3A_74, %sign3A_77 : i32
      %sign3A_79 = arith.extui %sign3A_78 : i1 to i32
      %sign3A_80 = arith.constant 0 : i32
      %sign3A_81 = arith.cmpi slt, %add3A_74, %sign3A_80 : i32
      %sign3A_82 = arith.extui %sign3A_81 : i1 to i32
      %sign3A_83 = arith.subi %sign3A_79, %sign3A_82 : i32
      %sign3A_84 = arith.constant 0 : i32
      %sign3A_85 = arith.cmpi sgt, %jit3A_75, %sign3A_84 : i32
      %sign3A_86 = arith.extui %sign3A_85 : i1 to i32
      %sign3A_87 = arith.constant 0 : i32
      %sign3A_88 = arith.cmpi slt, %jit3A_75, %sign3A_87 : i32
      %sign3A_89 = arith.extui %sign3A_88 : i1 to i32
      %sign3A_90 = arith.subi %sign3A_86, %sign3A_89 : i32
      %ne3A_91 = arith.cmpi ne, %sign3A_83, %sign3A_90 : i32
      %rem3A_92 = arith.remsi %add3A_74, %jit3A_75 : i32
      %ne3A_93 = arith.constant 0 : i32
      %ne3A_94 = arith.cmpi ne, %rem3A_92, %ne3A_93 : i32
      %and3A_95 = arith.andi %ne3A_91, %ne3A_94 : i1
      %sub3A_96 = arith.constant 1 : i32
      %sub3A_97 = arith.subi %div3A_76, %sub3A_96 : i32
      %select_n3A_98 = arith.select %and3A_95, %sub3A_97, %div3A_76 : i32
      %dma_wait3A_99 = arith.constant 0 : i32
      %dma_wait3A_100 = arith.constant 0 : i32
      %dma_wait3A_101 = tpu.memref_slice %arg5[%dma_wait3A_99, %dma_wait3A_100] : memref<20x128xi32, #tpu.memory_space<vmem>> -> memref<10x128xi32, #tpu.memory_space<vmem>>
      %dma_wait3A_102 = arith.constant 0 : i32
      %dma_wait3A_103 = tpu.memref_slice %arg3[%select_n3A_98, %dma_wait3A_102] : memref<6400x128xi32, #tpu.memory_space<hbm>> -> memref<10x128xi32, #tpu.memory_space<hbm>>
      %dma_wait3A_104 = arith.constant 0 : i32
      %dma_wait3A_105 = arith.constant 0 : i32
      %dma_wait3A_106 = tpu.memref_slice %arg5[%dma_wait3A_104, %dma_wait3A_105] : memref<20x128xi32, #tpu.memory_space<vmem>> -> memref<10x128xi32, #tpu.memory_space<vmem>>
      %dma_wait3A_107 = arith.constant 0 : i32
      %dma_wait3A_108 = tpu.memref_slice %arg3[%select_n3A_98, %dma_wait3A_107] : memref<6400x128xi32, #tpu.memory_space<hbm>> -> memref<10x128xi32, #tpu.memory_space<hbm>>
      tpu.wait_dma2 semaphore(%arg7 : memref<!tpu.dma_semaphore, #tpu.memory_space<semaphore_mem>>) src(%dma_wait3A_108 : memref<10x128xi32, #tpu.memory_space<hbm>>) dst(%dma_wait3A_106 : memref<10x128xi32, #tpu.memory_space<vmem>>)
      %ge3A = arith.constant 2 : i32
      %ge3A_109 = arith.cmpi sge, %add3A_67, %ge3A : i32
      %convert_element_type3A_110 = arith.extui %ge3A_109 : i1 to i32
      %cond3A_111 = arith.constant 0 : i32
      %cond3A_112 = arith.cmpi ne, %convert_element_type3A_110, %cond3A_111 : i32
      scf.if %cond3A_112 {
        %sub3A_798 = arith.constant 2 : i32
        %sub3A_799 = arith.subi %add3A_67, %sub3A_798 : i32
        %mul3A_800 = arith.constant 1280 : i32
        %mul3A_801 = arith.muli %sub3A_799, %mul3A_800 : i32
        %add3A_802 = arith.addi %mul3A_2, %mul3A_801 : i32
        %dma_wait3A_803 = arith.constant 0 : i32
        %dma_wait3A_804 = arith.constant 0 : i32
        %dma_wait3A_805 = arith.constant 0 : i32
        %dma_wait3A_806 = tpu.memref_slice %arg6[%dma_wait3A_803, %dma_wait3A_804, %dma_wait3A_805] : memref<2x1280x16xf32, #tpu.memory_space<vmem>> -> memref<1x1280x16xf32, #tpu.memory_space<vmem>>
        %dma_wait3A_807 = tpu.memref_squeeze %dma_wait3A_806 : memref<1x1280x16xf32, #tpu.memory_space<vmem>> -> memref<1280x16xf32, #tpu.memory_space<vmem>>
        %dma_wait3A_808 = arith.constant 0 : i32
        %dma_wait3A_809 = tpu.memref_slice %arg4[%add3A_802, %dma_wait3A_808] : memref<819200x16xf32, #tpu.memory_space<hbm>> -> memref<1280x16xf32, #tpu.memory_space<hbm>>
        %dma_wait3A_810 = arith.constant 0 : i32
        %dma_wait3A_811 = tpu.memref_slice %arg4[%add3A_802, %dma_wait3A_810] : memref<819200x16xf32, #tpu.memory_space<hbm>> -> memref<1280x16xf32, #tpu.memory_space<hbm>>
        %dma_wait3A_812 = arith.constant 0 : i32
        %dma_wait3A_813 = arith.constant 0 : i32
        %dma_wait3A_814 = tpu.memref_slice %arg6[%dma_wait3A_803, %dma_wait3A_812, %dma_wait3A_813] : memref<2x1280x16xf32, #tpu.memory_space<vmem>> -> memref<1x1280x16xf32, #tpu.memory_space<vmem>>
        %dma_wait3A_815 = tpu.memref_squeeze %dma_wait3A_814 : memref<1x1280x16xf32, #tpu.memory_space<vmem>> -> memref<1280x16xf32, #tpu.memory_space<vmem>>
        tpu.wait_dma2 semaphore(%arg11 : memref<!tpu.dma_semaphore, #tpu.memory_space<semaphore_mem>>) src(%dma_wait3A_815 : memref<1280x16xf32, #tpu.memory_space<vmem>>) dst(%dma_wait3A_811 : memref<1280x16xf32, #tpu.memory_space<hbm>>)
      } else {
      }
      %dma_start3A_113 = arith.constant 0 : i32
      %dma_start3A_114 = arith.constant 0 : i32
      %dma_start3A_115 = arith.constant 0 : i32
      %dma_start3A_116 = arith.constant 0 : i32
      %dma_start3A_117 = tpu.memref_slice %arg6[%dma_start3A_114, %dma_start3A_115, %dma_start3A_116] : memref<2x1280x16xf32, #tpu.memory_space<vmem>> -> memref<1x1280x16xf32, #tpu.memory_space<vmem>>
      %dma_start3A_118 = tpu.memref_squeeze %dma_start3A_117 : memref<1x1280x16xf32, #tpu.memory_space<vmem>> -> memref<1280x16xf32, #tpu.memory_space<vmem>>
      %dma_start3A_119 = arith.constant 0 : i32
      %dma_start3A_120 = arith.constant 0 : i32
      %dma_start3A_121 = tpu.memref_slice %dma_start3A_118[%dma_start3A_119, %dma_start3A_120] : memref<1280x16xf32, #tpu.memory_space<vmem>> -> memref<128x16xf32, #tpu.memory_space<vmem>>
      %dma_start3A_122 = arith.constant 0 : i32
      %dma_start3A_123 = tpu.memref_slice %arg5[%dma_start3A_113, %dma_start3A_122] : memref<20x128xi32, #tpu.memory_space<vmem>> -> memref<1x128xi32, #tpu.memory_space<vmem>>
      %dma_start3A_124 = tpu.memref_squeeze %dma_start3A_123 : memref<1x128xi32, #tpu.memory_space<vmem>> -> memref<128xi32, #tpu.memory_space<vmem>>
      %dma_start3A_125 = arith.constant 0 : i32
      %dma_start3A_126 = arith.constant 0 : i32
      %dma_start3A_127 = tpu.memref_slice %arg2[%dma_start3A_125, %dma_start3A_126] : memref<1000000x16xf32, #tpu.memory_space<hbm>> -> memref<1000000x16xf32, #tpu.memory_space<hbm>>
      tpu.enqueue_indirect_dma source(%dma_start3A_127 : memref<1000000x16xf32, #tpu.memory_space<hbm>>) target(%dma_start3A_121 : memref<128x16xf32, #tpu.memory_space<vmem>>) offsets(%dma_start3A_124 : memref<128xi32, #tpu.memory_space<vmem>>) semaphore(%arg9 : memref<!tpu.dma_semaphore, #tpu.memory_space<semaphore_mem>>)
      %dma_start3A_128 = arith.constant 1 : i32
      %dma_start3A_129 = arith.constant 0 : i32
      %dma_start3A_130 = arith.constant 0 : i32
      %dma_start3A_131 = arith.constant 0 : i32
      %dma_start3A_132 = tpu.memref_slice %arg6[%dma_start3A_129, %dma_start3A_130, %dma_start3A_131] : memref<2x1280x16xf32, #tpu.memory_space<vmem>> -> memref<1x1280x16xf32, #tpu.memory_space<vmem>>
      %dma_start3A_133 = tpu.memref_squeeze %dma_start3A_132 : memref<1x1280x16xf32, #tpu.memory_space<vmem>> -> memref<1280x16xf32, #tpu.memory_space<vmem>>
      %dma_start3A_134 = arith.constant 128 : i32
      %dma_start3A_135 = arith.constant 0 : i32
      %dma_start3A_136 = tpu.memref_slice %dma_start3A_133[%dma_start3A_134, %dma_start3A_135] : memref<1280x16xf32, #tpu.memory_space<vmem>> -> memref<128x16xf32, #tpu.memory_space<vmem>>
      %dma_start3A_137 = arith.constant 0 : i32
      %dma_start3A_138 = tpu.memref_slice %arg5[%dma_start3A_128, %dma_start3A_137] : memref<20x128xi32, #tpu.memory_space<vmem>> -> memref<1x128xi32, #tpu.memory_space<vmem>>
      %dma_start3A_139 = tpu.memref_squeeze %dma_start3A_138 : memref<1x128xi32, #tpu.memory_space<vmem>> -> memref<128xi32, #tpu.memory_space<vmem>>
      %dma_start3A_140 = arith.constant 0 : i32
      %dma_start3A_141 = arith.constant 0 : i32
      %dma_start3A_142 = tpu.memref_slice %arg2[%dma_start3A_140, %dma_start3A_141] : memref<1000000x16xf32, #tpu.memory_space<hbm>> -> memref<1000000x16xf32, #tpu.memory_space<hbm>>
      tpu.enqueue_indirect_dma source(%dma_start3A_142 : memref<1000000x16xf32, #tpu.memory_space<hbm>>) target(%dma_start3A_136 : memref<128x16xf32, #tpu.memory_space<vmem>>) offsets(%dma_start3A_139 : memref<128xi32, #tpu.memory_space<vmem>>) semaphore(%arg9 : memref<!tpu.dma_semaphore, #tpu.memory_space<semaphore_mem>>)
      %dma_start3A_143 = arith.constant 2 : i32
      %dma_start3A_144 = arith.constant 0 : i32
      %dma_start3A_145 = arith.constant 0 : i32
      %dma_start3A_146 = arith.constant 0 : i32
      %dma_start3A_147 = tpu.memref_slice %arg6[%dma_start3A_144, %dma_start3A_145, %dma_start3A_146] : memref<2x1280x16xf32, #tpu.memory_space<vmem>> -> memref<1x1280x16xf32, #tpu.memory_space<vmem>>
      %dma_start3A_148 = tpu.memref_squeeze %dma_start3A_147 : memref<1x1280x16xf32, #tpu.memory_space<vmem>> -> memref<1280x16xf32, #tpu.memory_space<vmem>>
      %dma_start3A_149 = arith.constant 256 : i32
      %dma_start3A_150 = arith.constant 0 : i32
      %dma_start3A_151 = tpu.memref_slice %dma_start3A_148[%dma_start3A_149, %dma_start3A_150] : memref<1280x16xf32, #tpu.memory_space<vmem>> -> memref<128x16xf32, #tpu.memory_space<vmem>>
      %dma_start3A_152 = arith.constant 0 : i32
      %dma_start3A_153 = tpu.memref_slice %arg5[%dma_start3A_143, %dma_start3A_152] : memref<20x128xi32, #tpu.memory_space<vmem>> -> memref<1x128xi32, #tpu.memory_space<vmem>>
      %dma_start3A_154 = tpu.memref_squeeze %dma_start3A_153 : memref<1x128xi32, #tpu.memory_space<vmem>> -> memref<128xi32, #tpu.memory_space<vmem>>
      %dma_start3A_155 = arith.constant 0 : i32
      %dma_start3A_156 = arith.constant 0 : i32
      %dma_start3A_157 = tpu.memref_slice %arg2[%dma_start3A_155, %dma_start3A_156] : memref<1000000x16xf32, #tpu.memory_space<hbm>> -> memref<1000000x16xf32, #tpu.memory_space<hbm>>
      tpu.enqueue_indirect_dma source(%dma_start3A_157 : memref<1000000x16xf32, #tpu.memory_space<hbm>>) target(%dma_start3A_151 : memref<128x16xf32, #tpu.memory_space<vmem>>) offsets(%dma_start3A_154 : memref<128xi32, #tpu.memory_space<vmem>>) semaphore(%arg9 : memref<!tpu.dma_semaphore, #tpu.memory_space<semaphore_mem>>)
      %dma_start3A_158 = arith.constant 3 : i32
      %dma_start3A_159 = arith.constant 0 : i32
      %dma_start3A_160 = arith.constant 0 : i32
      %dma_start3A_161 = arith.constant 0 : i32
      %dma_start3A_162 = tpu.memref_slice %arg6[%dma_start3A_159, %dma_start3A_160, %dma_start3A_161] : memref<2x1280x16xf32, #tpu.memory_space<vmem>> -> memref<1x1280x16xf32, #tpu.memory_space<vmem>>
      %dma_start3A_163 = tpu.memref_squeeze %dma_start3A_162 : memref<1x1280x16xf32, #tpu.memory_space<vmem>> -> memref<1280x16xf32, #tpu.memory_space<vmem>>
      %dma_start3A_164 = arith.constant 384 : i32
      %dma_start3A_165 = arith.constant 0 : i32
      %dma_start3A_166 = tpu.memref_slice %dma_start3A_163[%dma_start3A_164, %dma_start3A_165] : memref<1280x16xf32, #tpu.memory_space<vmem>> -> memref<128x16xf32, #tpu.memory_space<vmem>>
      %dma_start3A_167 = arith.constant 0 : i32
      %dma_start3A_168 = tpu.memref_slice %arg5[%dma_start3A_158, %dma_start3A_167] : memref<20x128xi32, #tpu.memory_space<vmem>> -> memref<1x128xi32, #tpu.memory_space<vmem>>
      %dma_start3A_169 = tpu.memref_squeeze %dma_start3A_168 : memref<1x128xi32, #tpu.memory_space<vmem>> -> memref<128xi32, #tpu.memory_space<vmem>>
      %dma_start3A_170 = arith.constant 0 : i32
      %dma_start3A_171 = arith.constant 0 : i32
      %dma_start3A_172 = tpu.memref_slice %arg2[%dma_start3A_170, %dma_start3A_171] : memref<1000000x16xf32, #tpu.memory_space<hbm>> -> memref<1000000x16xf32, #tpu.memory_space<hbm>>
      tpu.enqueue_indirect_dma source(%dma_start3A_172 : memref<1000000x16xf32, #tpu.memory_space<hbm>>) target(%dma_start3A_166 : memref<128x16xf32, #tpu.memory_space<vmem>>) offsets(%dma_start3A_169 : memref<128xi32, #tpu.memory_space<vmem>>) semaphore(%arg9 : memref<!tpu.dma_semaphore, #tpu.memory_space<semaphore_mem>>)
      %dma_start3A_173 = arith.constant 4 : i32
      %dma_start3A_174 = arith.constant 0 : i32
      %dma_start3A_175 = arith.constant 0 : i32
      %dma_start3A_176 = arith.constant 0 : i32
      %dma_start3A_177 = tpu.memref_slice %arg6[%dma_start3A_174, %dma_start3A_175, %dma_start3A_176] : memref<2x1280x16xf32, #tpu.memory_space<vmem>> -> memref<1x1280x16xf32, #tpu.memory_space<vmem>>
      %dma_start3A_178 = tpu.memref_squeeze %dma_start3A_177 : memref<1x1280x16xf32, #tpu.memory_space<vmem>> -> memref<1280x16xf32, #tpu.memory_space<vmem>>
      %dma_start3A_179 = arith.constant 512 : i32
      %dma_start3A_180 = arith.constant 0 : i32
      %dma_start3A_181 = tpu.memref_slice %dma_start3A_178[%dma_start3A_179, %dma_start3A_180] : memref<1280x16xf32, #tpu.memory_space<vmem>> -> memref<128x16xf32, #tpu.memory_space<vmem>>
      %dma_start3A_182 = arith.constant 0 : i32
      %dma_start3A_183 = tpu.memref_slice %arg5[%dma_start3A_173, %dma_start3A_182] : memref<20x128xi32, #tpu.memory_space<vmem>> -> memref<1x128xi32, #tpu.memory_space<vmem>>
      %dma_start3A_184 = tpu.memref_squeeze %dma_start3A_183 : memref<1x128xi32, #tpu.memory_space<vmem>> -> memref<128xi32, #tpu.memory_space<vmem>>
      %dma_start3A_185 = arith.constant 0 : i32
      %dma_start3A_186 = arith.constant 0 : i32
      %dma_start3A_187 = tpu.memref_slice %arg2[%dma_start3A_185, %dma_start3A_186] : memref<1000000x16xf32, #tpu.memory_space<hbm>> -> memref<1000000x16xf32, #tpu.memory_space<hbm>>
      tpu.enqueue_indirect_dma source(%dma_start3A_187 : memref<1000000x16xf32, #tpu.memory_space<hbm>>) target(%dma_start3A_181 : memref<128x16xf32, #tpu.memory_space<vmem>>) offsets(%dma_start3A_184 : memref<128xi32, #tpu.memory_space<vmem>>) semaphore(%arg9 : memref<!tpu.dma_semaphore, #tpu.memory_space<semaphore_mem>>)
      %dma_start3A_188 = arith.constant 5 : i32
      %dma_start3A_189 = arith.constant 0 : i32
      %dma_start3A_190 = arith.constant 0 : i32
      %dma_start3A_191 = arith.constant 0 : i32
      %dma_start3A_192 = tpu.memref_slice %arg6[%dma_start3A_189, %dma_start3A_190, %dma_start3A_191] : memref<2x1280x16xf32, #tpu.memory_space<vmem>> -> memref<1x1280x16xf32, #tpu.memory_space<vmem>>
      %dma_start3A_193 = tpu.memref_squeeze %dma_start3A_192 : memref<1x1280x16xf32, #tpu.memory_space<vmem>> -> memref<1280x16xf32, #tpu.memory_space<vmem>>
      %dma_start3A_194 = arith.constant 640 : i32
      %dma_start3A_195 = arith.constant 0 : i32
      %dma_start3A_196 = tpu.memref_slice %dma_start3A_193[%dma_start3A_194, %dma_start3A_195] : memref<1280x16xf32, #tpu.memory_space<vmem>> -> memref<128x16xf32, #tpu.memory_space<vmem>>
      %dma_start3A_197 = arith.constant 0 : i32
      %dma_start3A_198 = tpu.memref_slice %arg5[%dma_start3A_188, %dma_start3A_197] : memref<20x128xi32, #tpu.memory_space<vmem>> -> memref<1x128xi32, #tpu.memory_space<vmem>>
      %dma_start3A_199 = tpu.memref_squeeze %dma_start3A_198 : memref<1x128xi32, #tpu.memory_space<vmem>> -> memref<128xi32, #tpu.memory_space<vmem>>
      %dma_start3A_200 = arith.constant 0 : i32
      %dma_start3A_201 = arith.constant 0 : i32
      %dma_start3A_202 = tpu.memref_slice %arg2[%dma_start3A_200, %dma_start3A_201] : memref<1000000x16xf32, #tpu.memory_space<hbm>> -> memref<1000000x16xf32, #tpu.memory_space<hbm>>
      tpu.enqueue_indirect_dma source(%dma_start3A_202 : memref<1000000x16xf32, #tpu.memory_space<hbm>>) target(%dma_start3A_196 : memref<128x16xf32, #tpu.memory_space<vmem>>) offsets(%dma_start3A_199 : memref<128xi32, #tpu.memory_space<vmem>>) semaphore(%arg9 : memref<!tpu.dma_semaphore, #tpu.memory_space<semaphore_mem>>)
      %dma_start3A_203 = arith.constant 6 : i32
      %dma_start3A_204 = arith.constant 0 : i32
      %dma_start3A_205 = arith.constant 0 : i32
      %dma_start3A_206 = arith.constant 0 : i32
      %dma_start3A_207 = tpu.memref_slice %arg6[%dma_start3A_204, %dma_start3A_205, %dma_start3A_206] : memref<2x1280x16xf32, #tpu.memory_space<vmem>> -> memref<1x1280x16xf32, #tpu.memory_space<vmem>>
      %dma_start3A_208 = tpu.memref_squeeze %dma_start3A_207 : memref<1x1280x16xf32, #tpu.memory_space<vmem>> -> memref<1280x16xf32, #tpu.memory_space<vmem>>
      %dma_start3A_209 = arith.constant 768 : i32
      %dma_start3A_210 = arith.constant 0 : i32
      %dma_start3A_211 = tpu.memref_slice %dma_start3A_208[%dma_start3A_209, %dma_start3A_210] : memref<1280x16xf32, #tpu.memory_space<vmem>> -> memref<128x16xf32, #tpu.memory_space<vmem>>
      %dma_start3A_212 = arith.constant 0 : i32
      %dma_start3A_213 = tpu.memref_slice %arg5[%dma_start3A_203, %dma_start3A_212] : memref<20x128xi32, #tpu.memory_space<vmem>> -> memref<1x128xi32, #tpu.memory_space<vmem>>
      %dma_start3A_214 = tpu.memref_squeeze %dma_start3A_213 : memref<1x128xi32, #tpu.memory_space<vmem>> -> memref<128xi32, #tpu.memory_space<vmem>>
      %dma_start3A_215 = arith.constant 0 : i32
      %dma_start3A_216 = arith.constant 0 : i32
      %dma_start3A_217 = tpu.memref_slice %arg2[%dma_start3A_215, %dma_start3A_216] : memref<1000000x16xf32, #tpu.memory_space<hbm>> -> memref<1000000x16xf32, #tpu.memory_space<hbm>>
      tpu.enqueue_indirect_dma source(%dma_start3A_217 : memref<1000000x16xf32, #tpu.memory_space<hbm>>) target(%dma_start3A_211 : memref<128x16xf32, #tpu.memory_space<vmem>>) offsets(%dma_start3A_214 : memref<128xi32, #tpu.memory_space<vmem>>) semaphore(%arg9 : memref<!tpu.dma_semaphore, #tpu.memory_space<semaphore_mem>>)
      %dma_start3A_218 = arith.constant 7 : i32
      %dma_start3A_219 = arith.constant 0 : i32
      %dma_start3A_220 = arith.constant 0 : i32
      %dma_start3A_221 = arith.constant 0 : i32
      %dma_start3A_222 = tpu.memref_slice %arg6[%dma_start3A_219, %dma_start3A_220, %dma_start3A_221] : memref<2x1280x16xf32, #tpu.memory_space<vmem>> -> memref<1x1280x16xf32, #tpu.memory_space<vmem>>
      %dma_start3A_223 = tpu.memref_squeeze %dma_start3A_222 : memref<1x1280x16xf32, #tpu.memory_space<vmem>> -> memref<1280x16xf32, #tpu.memory_space<vmem>>
      %dma_start3A_224 = arith.constant 896 : i32
      %dma_start3A_225 = arith.constant 0 : i32
      %dma_start3A_226 = tpu.memref_slice %dma_start3A_223[%dma_start3A_224, %dma_start3A_225] : memref<1280x16xf32, #tpu.memory_space<vmem>> -> memref<128x16xf32, #tpu.memory_space<vmem>>
      %dma_start3A_227 = arith.constant 0 : i32
      %dma_start3A_228 = tpu.memref_slice %arg5[%dma_start3A_218, %dma_start3A_227] : memref<20x128xi32, #tpu.memory_space<vmem>> -> memref<1x128xi32, #tpu.memory_space<vmem>>
      %dma_start3A_229 = tpu.memref_squeeze %dma_start3A_228 : memref<1x128xi32, #tpu.memory_space<vmem>> -> memref<128xi32, #tpu.memory_space<vmem>>
      %dma_start3A_230 = arith.constant 0 : i32
      %dma_start3A_231 = arith.constant 0 : i32
      %dma_start3A_232 = tpu.memref_slice %arg2[%dma_start3A_230, %dma_start3A_231] : memref<1000000x16xf32, #tpu.memory_space<hbm>> -> memref<1000000x16xf32, #tpu.memory_space<hbm>>
      tpu.enqueue_indirect_dma source(%dma_start3A_232 : memref<1000000x16xf32, #tpu.memory_space<hbm>>) target(%dma_start3A_226 : memref<128x16xf32, #tpu.memory_space<vmem>>) offsets(%dma_start3A_229 : memref<128xi32, #tpu.memory_space<vmem>>) semaphore(%arg9 : memref<!tpu.dma_semaphore, #tpu.memory_space<semaphore_mem>>)
      %dma_start3A_233 = arith.constant 8 : i32
      %dma_start3A_234 = arith.constant 0 : i32
      %dma_start3A_235 = arith.constant 0 : i32
      %dma_start3A_236 = arith.constant 0 : i32
      %dma_start3A_237 = tpu.memref_slice %arg6[%dma_start3A_234, %dma_start3A_235, %dma_start3A_236] : memref<2x1280x16xf32, #tpu.memory_space<vmem>> -> memref<1x1280x16xf32, #tpu.memory_space<vmem>>
      %dma_start3A_238 = tpu.memref_squeeze %dma_start3A_237 : memref<1x1280x16xf32, #tpu.memory_space<vmem>> -> memref<1280x16xf32, #tpu.memory_space<vmem>>
      %dma_start3A_239 = arith.constant 1024 : i32
      %dma_start3A_240 = arith.constant 0 : i32
      %dma_start3A_241 = tpu.memref_slice %dma_start3A_238[%dma_start3A_239, %dma_start3A_240] : memref<1280x16xf32, #tpu.memory_space<vmem>> -> memref<128x16xf32, #tpu.memory_space<vmem>>
      %dma_start3A_242 = arith.constant 0 : i32
      %dma_start3A_243 = tpu.memref_slice %arg5[%dma_start3A_233, %dma_start3A_242] : memref<20x128xi32, #tpu.memory_space<vmem>> -> memref<1x128xi32, #tpu.memory_space<vmem>>
      %dma_start3A_244 = tpu.memref_squeeze %dma_start3A_243 : memref<1x128xi32, #tpu.memory_space<vmem>> -> memref<128xi32, #tpu.memory_space<vmem>>
      %dma_start3A_245 = arith.constant 0 : i32
      %dma_start3A_246 = arith.constant 0 : i32
      %dma_start3A_247 = tpu.memref_slice %arg2[%dma_start3A_245, %dma_start3A_246] : memref<1000000x16xf32, #tpu.memory_space<hbm>> -> memref<1000000x16xf32, #tpu.memory_space<hbm>>
      tpu.enqueue_indirect_dma source(%dma_start3A_247 : memref<1000000x16xf32, #tpu.memory_space<hbm>>) target(%dma_start3A_241 : memref<128x16xf32, #tpu.memory_space<vmem>>) offsets(%dma_start3A_244 : memref<128xi32, #tpu.memory_space<vmem>>) semaphore(%arg9 : memref<!tpu.dma_semaphore, #tpu.memory_space<semaphore_mem>>)
      %dma_start3A_248 = arith.constant 9 : i32
      %dma_start3A_249 = arith.constant 0 : i32
      %dma_start3A_250 = arith.constant 0 : i32
      %dma_start3A_251 = arith.constant 0 : i32
      %dma_start3A_252 = tpu.memref_slice %arg6[%dma_start3A_249, %dma_start3A_250, %dma_start3A_251] : memref<2x1280x16xf32, #tpu.memory_space<vmem>> -> memref<1x1280x16xf32, #tpu.memory_space<vmem>>
      %dma_start3A_253 = tpu.memref_squeeze %dma_start3A_252 : memref<1x1280x16xf32, #tpu.memory_space<vmem>> -> memref<1280x16xf32, #tpu.memory_space<vmem>>
      %dma_start3A_254 = arith.constant 1152 : i32
      %dma_start3A_255 = arith.constant 0 : i32
      %dma_start3A_256 = tpu.memref_slice %dma_start3A_253[%dma_start3A_254, %dma_start3A_255] : memref<1280x16xf32, #tpu.memory_space<vmem>> -> memref<128x16xf32, #tpu.memory_space<vmem>>
      %dma_start3A_257 = arith.constant 0 : i32
      %dma_start3A_258 = tpu.memref_slice %arg5[%dma_start3A_248, %dma_start3A_257] : memref<20x128xi32, #tpu.memory_space<vmem>> -> memref<1x128xi32, #tpu.memory_space<vmem>>
      %dma_start3A_259 = tpu.memref_squeeze %dma_start3A_258 : memref<1x128xi32, #tpu.memory_space<vmem>> -> memref<128xi32, #tpu.memory_space<vmem>>
      %dma_start3A_260 = arith.constant 0 : i32
      %dma_start3A_261 = arith.constant 0 : i32
      %dma_start3A_262 = tpu.memref_slice %arg2[%dma_start3A_260, %dma_start3A_261] : memref<1000000x16xf32, #tpu.memory_space<hbm>> -> memref<1000000x16xf32, #tpu.memory_space<hbm>>
      tpu.enqueue_indirect_dma source(%dma_start3A_262 : memref<1000000x16xf32, #tpu.memory_space<hbm>>) target(%dma_start3A_256 : memref<128x16xf32, #tpu.memory_space<vmem>>) offsets(%dma_start3A_259 : memref<128xi32, #tpu.memory_space<vmem>>) semaphore(%arg9 : memref<!tpu.dma_semaphore, #tpu.memory_space<semaphore_mem>>)
      %dma_wait3A_263 = arith.constant 0 : i32
      %dma_wait3A_264 = arith.constant 0 : i32
      %dma_wait3A_265 = arith.constant 0 : i32
      %dma_wait3A_266 = arith.constant 0 : i32
      %dma_wait3A_267 = tpu.memref_slice %arg6[%dma_wait3A_264, %dma_wait3A_265, %dma_wait3A_266] : memref<2x1280x16xf32, #tpu.memory_space<vmem>> -> memref<1x1280x16xf32, #tpu.memory_space<vmem>>
      %dma_wait3A_268 = tpu.memref_squeeze %dma_wait3A_267 : memref<1x1280x16xf32, #tpu.memory_space<vmem>> -> memref<1280x16xf32, #tpu.memory_space<vmem>>
      %dma_wait3A_269 = arith.constant 0 : i32
      %dma_wait3A_270 = arith.constant 0 : i32
      %dma_wait3A_271 = tpu.memref_slice %dma_wait3A_268[%dma_wait3A_269, %dma_wait3A_270] : memref<1280x16xf32, #tpu.memory_space<vmem>> -> memref<128x16xf32, #tpu.memory_space<vmem>>
      %dma_wait3A_272 = arith.constant 0 : i32
      %dma_wait3A_273 = tpu.memref_slice %arg5[%dma_wait3A_263, %dma_wait3A_272] : memref<20x128xi32, #tpu.memory_space<vmem>> -> memref<1x128xi32, #tpu.memory_space<vmem>>
      %dma_wait3A_274 = tpu.memref_squeeze %dma_wait3A_273 : memref<1x128xi32, #tpu.memory_space<vmem>> -> memref<128xi32, #tpu.memory_space<vmem>>
      %dma_wait3A_275 = arith.constant 0 : i32
      %dma_wait3A_276 = arith.constant 0 : i32
      %dma_wait3A_277 = tpu.memref_slice %arg2[%dma_wait3A_275, %dma_wait3A_276] : memref<1000000x16xf32, #tpu.memory_space<hbm>> -> memref<1000000x16xf32, #tpu.memory_space<hbm>>
      tpu.wait_indirect_dma semaphore(%arg9 : memref<!tpu.dma_semaphore, #tpu.memory_space<semaphore_mem>>) src(%dma_wait3A_277 : memref<1000000x16xf32, #tpu.memory_space<hbm>>) dst(%dma_wait3A_271 : memref<128x16xf32, #tpu.memory_space<vmem>>)
      %dma_wait3A_278 = arith.constant 1 : i32
      %dma_wait3A_279 = arith.constant 0 : i32
      %dma_wait3A_280 = arith.constant 0 : i32
      %dma_wait3A_281 = arith.constant 0 : i32
      %dma_wait3A_282 = tpu.memref_slice %arg6[%dma_wait3A_279, %dma_wait3A_280, %dma_wait3A_281] : memref<2x1280x16xf32, #tpu.memory_space<vmem>> -> memref<1x1280x16xf32, #tpu.memory_space<vmem>>
      %dma_wait3A_283 = tpu.memref_squeeze %dma_wait3A_282 : memref<1x1280x16xf32, #tpu.memory_space<vmem>> -> memref<1280x16xf32, #tpu.memory_space<vmem>>
      %dma_wait3A_284 = arith.constant 128 : i32
      %dma_wait3A_285 = arith.constant 0 : i32
      %dma_wait3A_286 = tpu.memref_slice %dma_wait3A_283[%dma_wait3A_284, %dma_wait3A_285] : memref<1280x16xf32, #tpu.memory_space<vmem>> -> memref<128x16xf32, #tpu.memory_space<vmem>>
      %dma_wait3A_287 = arith.constant 0 : i32
      %dma_wait3A_288 = tpu.memref_slice %arg5[%dma_wait3A_278, %dma_wait3A_287] : memref<20x128xi32, #tpu.memory_space<vmem>> -> memref<1x128xi32, #tpu.memory_space<vmem>>
      %dma_wait3A_289 = tpu.memref_squeeze %dma_wait3A_288 : memref<1x128xi32, #tpu.memory_space<vmem>> -> memref<128xi32, #tpu.memory_space<vmem>>
      %dma_wait3A_290 = arith.constant 0 : i32
      %dma_wait3A_291 = arith.constant 0 : i32
      %dma_wait3A_292 = tpu.memref_slice %arg2[%dma_wait3A_290, %dma_wait3A_291] : memref<1000000x16xf32, #tpu.memory_space<hbm>> -> memref<1000000x16xf32, #tpu.memory_space<hbm>>
      tpu.wait_indirect_dma semaphore(%arg9 : memref<!tpu.dma_semaphore, #tpu.memory_space<semaphore_mem>>) src(%dma_wait3A_292 : memref<1000000x16xf32, #tpu.memory_space<hbm>>) dst(%dma_wait3A_286 : memref<128x16xf32, #tpu.memory_space<vmem>>)
      %dma_wait3A_293 = arith.constant 2 : i32
      %dma_wait3A_294 = arith.constant 0 : i32
      %dma_wait3A_295 = arith.constant 0 : i32
      %dma_wait3A_296 = arith.constant 0 : i32
      %dma_wait3A_297 = tpu.memref_slice %arg6[%dma_wait3A_294, %dma_wait3A_295, %dma_wait3A_296] : memref<2x1280x16xf32, #tpu.memory_space<vmem>> -> memref<1x1280x16xf32, #tpu.memory_space<vmem>>
      %dma_wait3A_298 = tpu.memref_squeeze %dma_wait3A_297 : memref<1x1280x16xf32, #tpu.memory_space<vmem>> -> memref<1280x16xf32, #tpu.memory_space<vmem>>
      %dma_wait3A_299 = arith.constant 256 : i32
      %dma_wait3A_300 = arith.constant 0 : i32
      %dma_wait3A_301 = tpu.memref_slice %dma_wait3A_298[%dma_wait3A_299, %dma_wait3A_300] : memref<1280x16xf32, #tpu.memory_space<vmem>> -> memref<128x16xf32, #tpu.memory_space<vmem>>
      %dma_wait3A_302 = arith.constant 0 : i32
      %dma_wait3A_303 = tpu.memref_slice %arg5[%dma_wait3A_293, %dma_wait3A_302] : memref<20x128xi32, #tpu.memory_space<vmem>> -> memref<1x128xi32, #tpu.memory_space<vmem>>
      %dma_wait3A_304 = tpu.memref_squeeze %dma_wait3A_303 : memref<1x128xi32, #tpu.memory_space<vmem>> -> memref<128xi32, #tpu.memory_space<vmem>>
      %dma_wait3A_305 = arith.constant 0 : i32
      %dma_wait3A_306 = arith.constant 0 : i32
      %dma_wait3A_307 = tpu.memref_slice %arg2[%dma_wait3A_305, %dma_wait3A_306] : memref<1000000x16xf32, #tpu.memory_space<hbm>> -> memref<1000000x16xf32, #tpu.memory_space<hbm>>
      tpu.wait_indirect_dma semaphore(%arg9 : memref<!tpu.dma_semaphore, #tpu.memory_space<semaphore_mem>>) src(%dma_wait3A_307 : memref<1000000x16xf32, #tpu.memory_space<hbm>>) dst(%dma_wait3A_301 : memref<128x16xf32, #tpu.memory_space<vmem>>)
      %dma_wait3A_308 = arith.constant 3 : i32
      %dma_wait3A_309 = arith.constant 0 : i32
      %dma_wait3A_310 = arith.constant 0 : i32
      %dma_wait3A_311 = arith.constant 0 : i32
      %dma_wait3A_312 = tpu.memref_slice %arg6[%dma_wait3A_309, %dma_wait3A_310, %dma_wait3A_311] : memref<2x1280x16xf32, #tpu.memory_space<vmem>> -> memref<1x1280x16xf32, #tpu.memory_space<vmem>>
      %dma_wait3A_313 = tpu.memref_squeeze %dma_wait3A_312 : memref<1x1280x16xf32, #tpu.memory_space<vmem>> -> memref<1280x16xf32, #tpu.memory_space<vmem>>
      %dma_wait3A_314 = arith.constant 384 : i32
      %dma_wait3A_315 = arith.constant 0 : i32
      %dma_wait3A_316 = tpu.memref_slice %dma_wait3A_313[%dma_wait3A_314, %dma_wait3A_315] : memref<1280x16xf32, #tpu.memory_space<vmem>> -> memref<128x16xf32, #tpu.memory_space<vmem>>
      %dma_wait3A_317 = arith.constant 0 : i32
      %dma_wait3A_318 = tpu.memref_slice %arg5[%dma_wait3A_308, %dma_wait3A_317] : memref<20x128xi32, #tpu.memory_space<vmem>> -> memref<1x128xi32, #tpu.memory_space<vmem>>
      %dma_wait3A_319 = tpu.memref_squeeze %dma_wait3A_318 : memref<1x128xi32, #tpu.memory_space<vmem>> -> memref<128xi32, #tpu.memory_space<vmem>>
      %dma_wait3A_320 = arith.constant 0 : i32
      %dma_wait3A_321 = arith.constant 0 : i32
      %dma_wait3A_322 = tpu.memref_slice %arg2[%dma_wait3A_320, %dma_wait3A_321] : memref<1000000x16xf32, #tpu.memory_space<hbm>> -> memref<1000000x16xf32, #tpu.memory_space<hbm>>
      tpu.wait_indirect_dma semaphore(%arg9 : memref<!tpu.dma_semaphore, #tpu.memory_space<semaphore_mem>>) src(%dma_wait3A_322 : memref<1000000x16xf32, #tpu.memory_space<hbm>>) dst(%dma_wait3A_316 : memref<128x16xf32, #tpu.memory_space<vmem>>)
      %dma_wait3A_323 = arith.constant 4 : i32
      %dma_wait3A_324 = arith.constant 0 : i32
      %dma_wait3A_325 = arith.constant 0 : i32
      %dma_wait3A_326 = arith.constant 0 : i32
      %dma_wait3A_327 = tpu.memref_slice %arg6[%dma_wait3A_324, %dma_wait3A_325, %dma_wait3A_326] : memref<2x1280x16xf32, #tpu.memory_space<vmem>> -> memref<1x1280x16xf32, #tpu.memory_space<vmem>>
      %dma_wait3A_328 = tpu.memref_squeeze %dma_wait3A_327 : memref<1x1280x16xf32, #tpu.memory_space<vmem>> -> memref<1280x16xf32, #tpu.memory_space<vmem>>
      %dma_wait3A_329 = arith.constant 512 : i32
      %dma_wait3A_330 = arith.constant 0 : i32
      %dma_wait3A_331 = tpu.memref_slice %dma_wait3A_328[%dma_wait3A_329, %dma_wait3A_330] : memref<1280x16xf32, #tpu.memory_space<vmem>> -> memref<128x16xf32, #tpu.memory_space<vmem>>
      %dma_wait3A_332 = arith.constant 0 : i32
      %dma_wait3A_333 = tpu.memref_slice %arg5[%dma_wait3A_323, %dma_wait3A_332] : memref<20x128xi32, #tpu.memory_space<vmem>> -> memref<1x128xi32, #tpu.memory_space<vmem>>
      %dma_wait3A_334 = tpu.memref_squeeze %dma_wait3A_333 : memref<1x128xi32, #tpu.memory_space<vmem>> -> memref<128xi32, #tpu.memory_space<vmem>>
      %dma_wait3A_335 = arith.constant 0 : i32
      %dma_wait3A_336 = arith.constant 0 : i32
      %dma_wait3A_337 = tpu.memref_slice %arg2[%dma_wait3A_335, %dma_wait3A_336] : memref<1000000x16xf32, #tpu.memory_space<hbm>> -> memref<1000000x16xf32, #tpu.memory_space<hbm>>
      tpu.wait_indirect_dma semaphore(%arg9 : memref<!tpu.dma_semaphore, #tpu.memory_space<semaphore_mem>>) src(%dma_wait3A_337 : memref<1000000x16xf32, #tpu.memory_space<hbm>>) dst(%dma_wait3A_331 : memref<128x16xf32, #tpu.memory_space<vmem>>)
      %dma_wait3A_338 = arith.constant 5 : i32
      %dma_wait3A_339 = arith.constant 0 : i32
      %dma_wait3A_340 = arith.constant 0 : i32
      %dma_wait3A_341 = arith.constant 0 : i32
      %dma_wait3A_342 = tpu.memref_slice %arg6[%dma_wait3A_339, %dma_wait3A_340, %dma_wait3A_341] : memref<2x1280x16xf32, #tpu.memory_space<vmem>> -> memref<1x1280x16xf32, #tpu.memory_space<vmem>>
      %dma_wait3A_343 = tpu.memref_squeeze %dma_wait3A_342 : memref<1x1280x16xf32, #tpu.memory_space<vmem>> -> memref<1280x16xf32, #tpu.memory_space<vmem>>
      %dma_wait3A_344 = arith.constant 640 : i32
      %dma_wait3A_345 = arith.constant 0 : i32
      %dma_wait3A_346 = tpu.memref_slice %dma_wait3A_343[%dma_wait3A_344, %dma_wait3A_345] : memref<1280x16xf32, #tpu.memory_space<vmem>> -> memref<128x16xf32, #tpu.memory_space<vmem>>
      %dma_wait3A_347 = arith.constant 0 : i32
      %dma_wait3A_348 = tpu.memref_slice %arg5[%dma_wait3A_338, %dma_wait3A_347] : memref<20x128xi32, #tpu.memory_space<vmem>> -> memref<1x128xi32, #tpu.memory_space<vmem>>
      %dma_wait3A_349 = tpu.memref_squeeze %dma_wait3A_348 : memref<1x128xi32, #tpu.memory_space<vmem>> -> memref<128xi32, #tpu.memory_space<vmem>>
      %dma_wait3A_350 = arith.constant 0 : i32
      %dma_wait3A_351 = arith.constant 0 : i32
      %dma_wait3A_352 = tpu.memref_slice %arg2[%dma_wait3A_350, %dma_wait3A_351] : memref<1000000x16xf32, #tpu.memory_space<hbm>> -> memref<1000000x16xf32, #tpu.memory_space<hbm>>
      tpu.wait_indirect_dma semaphore(%arg9 : memref<!tpu.dma_semaphore, #tpu.memory_space<semaphore_mem>>) src(%dma_wait3A_352 : memref<1000000x16xf32, #tpu.memory_space<hbm>>) dst(%dma_wait3A_346 : memref<128x16xf32, #tpu.memory_space<vmem>>)
      %dma_wait3A_353 = arith.constant 6 : i32
      %dma_wait3A_354 = arith.constant 0 : i32
      %dma_wait3A_355 = arith.constant 0 : i32
      %dma_wait3A_356 = arith.constant 0 : i32
      %dma_wait3A_357 = tpu.memref_slice %arg6[%dma_wait3A_354, %dma_wait3A_355, %dma_wait3A_356] : memref<2x1280x16xf32, #tpu.memory_space<vmem>> -> memref<1x1280x16xf32, #tpu.memory_space<vmem>>
      %dma_wait3A_358 = tpu.memref_squeeze %dma_wait3A_357 : memref<1x1280x16xf32, #tpu.memory_space<vmem>> -> memref<1280x16xf32, #tpu.memory_space<vmem>>
      %dma_wait3A_359 = arith.constant 768 : i32
      %dma_wait3A_360 = arith.constant 0 : i32
      %dma_wait3A_361 = tpu.memref_slice %dma_wait3A_358[%dma_wait3A_359, %dma_wait3A_360] : memref<1280x16xf32, #tpu.memory_space<vmem>> -> memref<128x16xf32, #tpu.memory_space<vmem>>
      %dma_wait3A_362 = arith.constant 0 : i32
      %dma_wait3A_363 = tpu.memref_slice %arg5[%dma_wait3A_353, %dma_wait3A_362] : memref<20x128xi32, #tpu.memory_space<vmem>> -> memref<1x128xi32, #tpu.memory_space<vmem>>
      %dma_wait3A_364 = tpu.memref_squeeze %dma_wait3A_363 : memref<1x128xi32, #tpu.memory_space<vmem>> -> memref<128xi32, #tpu.memory_space<vmem>>
      %dma_wait3A_365 = arith.constant 0 : i32
      %dma_wait3A_366 = arith.constant 0 : i32
      %dma_wait3A_367 = tpu.memref_slice %arg2[%dma_wait3A_365, %dma_wait3A_366] : memref<1000000x16xf32, #tpu.memory_space<hbm>> -> memref<1000000x16xf32, #tpu.memory_space<hbm>>
      tpu.wait_indirect_dma semaphore(%arg9 : memref<!tpu.dma_semaphore, #tpu.memory_space<semaphore_mem>>) src(%dma_wait3A_367 : memref<1000000x16xf32, #tpu.memory_space<hbm>>) dst(%dma_wait3A_361 : memref<128x16xf32, #tpu.memory_space<vmem>>)
      %dma_wait3A_368 = arith.constant 7 : i32
      %dma_wait3A_369 = arith.constant 0 : i32
      %dma_wait3A_370 = arith.constant 0 : i32
      %dma_wait3A_371 = arith.constant 0 : i32
      %dma_wait3A_372 = tpu.memref_slice %arg6[%dma_wait3A_369, %dma_wait3A_370, %dma_wait3A_371] : memref<2x1280x16xf32, #tpu.memory_space<vmem>> -> memref<1x1280x16xf32, #tpu.memory_space<vmem>>
      %dma_wait3A_373 = tpu.memref_squeeze %dma_wait3A_372 : memref<1x1280x16xf32, #tpu.memory_space<vmem>> -> memref<1280x16xf32, #tpu.memory_space<vmem>>
      %dma_wait3A_374 = arith.constant 896 : i32
      %dma_wait3A_375 = arith.constant 0 : i32
      %dma_wait3A_376 = tpu.memref_slice %dma_wait3A_373[%dma_wait3A_374, %dma_wait3A_375] : memref<1280x16xf32, #tpu.memory_space<vmem>> -> memref<128x16xf32, #tpu.memory_space<vmem>>
      %dma_wait3A_377 = arith.constant 0 : i32
      %dma_wait3A_378 = tpu.memref_slice %arg5[%dma_wait3A_368, %dma_wait3A_377] : memref<20x128xi32, #tpu.memory_space<vmem>> -> memref<1x128xi32, #tpu.memory_space<vmem>>
      %dma_wait3A_379 = tpu.memref_squeeze %dma_wait3A_378 : memref<1x128xi32, #tpu.memory_space<vmem>> -> memref<128xi32, #tpu.memory_space<vmem>>
      %dma_wait3A_380 = arith.constant 0 : i32
      %dma_wait3A_381 = arith.constant 0 : i32
      %dma_wait3A_382 = tpu.memref_slice %arg2[%dma_wait3A_380, %dma_wait3A_381] : memref<1000000x16xf32, #tpu.memory_space<hbm>> -> memref<1000000x16xf32, #tpu.memory_space<hbm>>
      tpu.wait_indirect_dma semaphore(%arg9 : memref<!tpu.dma_semaphore, #tpu.memory_space<semaphore_mem>>) src(%dma_wait3A_382 : memref<1000000x16xf32, #tpu.memory_space<hbm>>) dst(%dma_wait3A_376 : memref<128x16xf32, #tpu.memory_space<vmem>>)
      %dma_wait3A_383 = arith.constant 8 : i32
      %dma_wait3A_384 = arith.constant 0 : i32
      %dma_wait3A_385 = arith.constant 0 : i32
      %dma_wait3A_386 = arith.constant 0 : i32
      %dma_wait3A_387 = tpu.memref_slice %arg6[%dma_wait3A_384, %dma_wait3A_385, %dma_wait3A_386] : memref<2x1280x16xf32, #tpu.memory_space<vmem>> -> memref<1x1280x16xf32, #tpu.memory_space<vmem>>
      %dma_wait3A_388 = tpu.memref_squeeze %dma_wait3A_387 : memref<1x1280x16xf32, #tpu.memory_space<vmem>> -> memref<1280x16xf32, #tpu.memory_space<vmem>>
      %dma_wait3A_389 = arith.constant 1024 : i32
      %dma_wait3A_390 = arith.constant 0 : i32
      %dma_wait3A_391 = tpu.memref_slice %dma_wait3A_388[%dma_wait3A_389, %dma_wait3A_390] : memref<1280x16xf32, #tpu.memory_space<vmem>> -> memref<128x16xf32, #tpu.memory_space<vmem>>
      %dma_wait3A_392 = arith.constant 0 : i32
      %dma_wait3A_393 = tpu.memref_slice %arg5[%dma_wait3A_383, %dma_wait3A_392] : memref<20x128xi32, #tpu.memory_space<vmem>> -> memref<1x128xi32, #tpu.memory_space<vmem>>
      %dma_wait3A_394 = tpu.memref_squeeze %dma_wait3A_393 : memref<1x128xi32, #tpu.memory_space<vmem>> -> memref<128xi32, #tpu.memory_space<vmem>>
      %dma_wait3A_395 = arith.constant 0 : i32
      %dma_wait3A_396 = arith.constant 0 : i32
      %dma_wait3A_397 = tpu.memref_slice %arg2[%dma_wait3A_395, %dma_wait3A_396] : memref<1000000x16xf32, #tpu.memory_space<hbm>> -> memref<1000000x16xf32, #tpu.memory_space<hbm>>
      tpu.wait_indirect_dma semaphore(%arg9 : memref<!tpu.dma_semaphore, #tpu.memory_space<semaphore_mem>>) src(%dma_wait3A_397 : memref<1000000x16xf32, #tpu.memory_space<hbm>>) dst(%dma_wait3A_391 : memref<128x16xf32, #tpu.memory_space<vmem>>)
      %dma_wait3A_398 = arith.constant 9 : i32
      %dma_wait3A_399 = arith.constant 0 : i32
      %dma_wait3A_400 = arith.constant 0 : i32
      %dma_wait3A_401 = arith.constant 0 : i32
      %dma_wait3A_402 = tpu.memref_slice %arg6[%dma_wait3A_399, %dma_wait3A_400, %dma_wait3A_401] : memref<2x1280x16xf32, #tpu.memory_space<vmem>> -> memref<1x1280x16xf32, #tpu.memory_space<vmem>>
      %dma_wait3A_403 = tpu.memref_squeeze %dma_wait3A_402 : memref<1x1280x16xf32, #tpu.memory_space<vmem>> -> memref<1280x16xf32, #tpu.memory_space<vmem>>
      %dma_wait3A_404 = arith.constant 1152 : i32
      %dma_wait3A_405 = arith.constant 0 : i32
      %dma_wait3A_406 = tpu.memref_slice %dma_wait3A_403[%dma_wait3A_404, %dma_wait3A_405] : memref<1280x16xf32, #tpu.memory_space<vmem>> -> memref<128x16xf32, #tpu.memory_space<vmem>>
      %dma_wait3A_407 = arith.constant 0 : i32
      %dma_wait3A_408 = tpu.memref_slice %arg5[%dma_wait3A_398, %dma_wait3A_407] : memref<20x128xi32, #tpu.memory_space<vmem>> -> memref<1x128xi32, #tpu.memory_space<vmem>>
      %dma_wait3A_409 = tpu.memref_squeeze %dma_wait3A_408 : memref<1x128xi32, #tpu.memory_space<vmem>> -> memref<128xi32, #tpu.memory_space<vmem>>
      %dma_wait3A_410 = arith.constant 0 : i32
      %dma_wait3A_411 = arith.constant 0 : i32
      %dma_wait3A_412 = tpu.memref_slice %arg2[%dma_wait3A_410, %dma_wait3A_411] : memref<1000000x16xf32, #tpu.memory_space<hbm>> -> memref<1000000x16xf32, #tpu.memory_space<hbm>>
      tpu.wait_indirect_dma semaphore(%arg9 : memref<!tpu.dma_semaphore, #tpu.memory_space<semaphore_mem>>) src(%dma_wait3A_412 : memref<1000000x16xf32, #tpu.memory_space<hbm>>) dst(%dma_wait3A_406 : memref<128x16xf32, #tpu.memory_space<vmem>>)
      %mul3A_413 = arith.constant 1280 : i32
      %mul3A_414 = arith.muli %add3A_67, %mul3A_413 : i32
      %add3A_415 = arith.addi %mul3A_2, %mul3A_414 : i32
      %dma_start3A_416 = arith.constant 0 : i32
      %dma_start3A_417 = arith.constant 0 : i32
      %dma_start3A_418 = arith.constant 0 : i32
      %dma_start3A_419 = tpu.memref_slice %arg6[%dma_start3A_416, %dma_start3A_417, %dma_start3A_418] : memref<2x1280x16xf32, #tpu.memory_space<vmem>> -> memref<1x1280x16xf32, #tpu.memory_space<vmem>>
      %dma_start3A_420 = tpu.memref_squeeze %dma_start3A_419 : memref<1x1280x16xf32, #tpu.memory_space<vmem>> -> memref<1280x16xf32, #tpu.memory_space<vmem>>
      %dma_start3A_421 = arith.constant 0 : i32
      %dma_start3A_422 = tpu.memref_slice %arg4[%add3A_415, %dma_start3A_421] : memref<819200x16xf32, #tpu.memory_space<hbm>> -> memref<1280x16xf32, #tpu.memory_space<hbm>>
      %dma_start3A_423 = arith.constant 0 : i32
      %dma_start3A_424 = tpu.memref_slice %arg4[%add3A_415, %dma_start3A_423] : memref<819200x16xf32, #tpu.memory_space<hbm>> -> memref<1280x16xf32, #tpu.memory_space<hbm>>
      %dma_start3A_425 = arith.constant 0 : i32
      %dma_start3A_426 = arith.constant 0 : i32
      %dma_start3A_427 = tpu.memref_slice %arg6[%dma_start3A_416, %dma_start3A_425, %dma_start3A_426] : memref<2x1280x16xf32, #tpu.memory_space<vmem>> -> memref<1x1280x16xf32, #tpu.memory_space<vmem>>
      %dma_start3A_428 = tpu.memref_squeeze %dma_start3A_427 : memref<1x1280x16xf32, #tpu.memory_space<vmem>> -> memref<1280x16xf32, #tpu.memory_space<vmem>>
      tpu.enqueue_dma source(%dma_start3A_428 : memref<1280x16xf32, #tpu.memory_space<vmem>>) target(%dma_start3A_424 : memref<1280x16xf32, #tpu.memory_space<hbm>>) target_semaphore(%arg11 : memref<!tpu.dma_semaphore, #tpu.memory_space<semaphore_mem>>)
      %mul3A_429 = arith.constant 2 : i32
      %mul3A_430 = arith.muli %mul3A_429, %scan3A_63 : i32
      %add3A_431 = arith.constant 1 : i32
      %add3A_432 = arith.addi %mul3A_430, %add3A_431 : i32
      %add3A_433 = arith.constant 1 : i32
      %add3A_434 = arith.addi %add3A_432, %add3A_433 : i32
      %lt3A_435 = arith.constant 20 : i32
      %lt3A_436 = arith.cmpi slt, %add3A_434, %lt3A_435 : i32
      %convert_element_type3A_437 = arith.extui %lt3A_436 : i1 to i32
      %cond3A_438 = arith.constant 0 : i32
      %cond3A_439 = arith.cmpi ne, %convert_element_type3A_437, %cond3A_438 : i32
      scf.if %cond3A_439 {
        %add3A_798 = arith.constant 1 : i32
        %add3A_799 = arith.addi %add3A_432, %add3A_798 : i32
        %mul3A_800 = arith.constant 1280 : i32
        %mul3A_801 = arith.muli %add3A_799, %mul3A_800 : i32
        %add3A_802 = arith.addi %mul3A_2, %mul3A_801 : i32
        %jit3A_803 = arith.constant 128 : i32
        %div3A_804 = arith.divsi %add3A_802, %jit3A_803 : i32
        %sign3A_805 = arith.constant 0 : i32
        %sign3A_806 = arith.cmpi sgt, %add3A_802, %sign3A_805 : i32
        %sign3A_807 = arith.extui %sign3A_806 : i1 to i32
        %sign3A_808 = arith.constant 0 : i32
        %sign3A_809 = arith.cmpi slt, %add3A_802, %sign3A_808 : i32
        %sign3A_810 = arith.extui %sign3A_809 : i1 to i32
        %sign3A_811 = arith.subi %sign3A_807, %sign3A_810 : i32
        %sign3A_812 = arith.constant 0 : i32
        %sign3A_813 = arith.cmpi sgt, %jit3A_803, %sign3A_812 : i32
        %sign3A_814 = arith.extui %sign3A_813 : i1 to i32
        %sign3A_815 = arith.constant 0 : i32
        %sign3A_816 = arith.cmpi slt, %jit3A_803, %sign3A_815 : i32
        %sign3A_817 = arith.extui %sign3A_816 : i1 to i32
        %sign3A_818 = arith.subi %sign3A_814, %sign3A_817 : i32
        %ne3A_819 = arith.cmpi ne, %sign3A_811, %sign3A_818 : i32
        %rem3A_820 = arith.remsi %add3A_802, %jit3A_803 : i32
        %ne3A_821 = arith.constant 0 : i32
        %ne3A_822 = arith.cmpi ne, %rem3A_820, %ne3A_821 : i32
        %and3A_823 = arith.andi %ne3A_819, %ne3A_822 : i1
        %sub3A_824 = arith.constant 1 : i32
        %sub3A_825 = arith.subi %div3A_804, %sub3A_824 : i32
        %select_n3A_826 = arith.select %and3A_823, %sub3A_825, %div3A_804 : i32
        %dma_start3A_827 = arith.constant 0 : i32
        %dma_start3A_828 = arith.constant 0 : i32
        %dma_start3A_829 = tpu.memref_slice %arg5[%dma_start3A_827, %dma_start3A_828] : memref<20x128xi32, #tpu.memory_space<vmem>> -> memref<10x128xi32, #tpu.memory_space<vmem>>
        %dma_start3A_830 = arith.constant 0 : i32
        %dma_start3A_831 = tpu.memref_slice %arg3[%select_n3A_826, %dma_start3A_830] : memref<6400x128xi32, #tpu.memory_space<hbm>> -> memref<10x128xi32, #tpu.memory_space<hbm>>
        %dma_start3A_832 = arith.constant 0 : i32
        %dma_start3A_833 = arith.constant 0 : i32
        %dma_start3A_834 = tpu.memref_slice %arg5[%dma_start3A_832, %dma_start3A_833] : memref<20x128xi32, #tpu.memory_space<vmem>> -> memref<10x128xi32, #tpu.memory_space<vmem>>
        %dma_start3A_835 = arith.constant 0 : i32
        %dma_start3A_836 = tpu.memref_slice %arg3[%select_n3A_826, %dma_start3A_835] : memref<6400x128xi32, #tpu.memory_space<hbm>> -> memref<10x128xi32, #tpu.memory_space<hbm>>
        tpu.enqueue_dma source(%dma_start3A_836 : memref<10x128xi32, #tpu.memory_space<hbm>>) target(%dma_start3A_834 : memref<10x128xi32, #tpu.memory_space<vmem>>) target_semaphore(%arg7 : memref<!tpu.dma_semaphore, #tpu.memory_space<semaphore_mem>>)
      } else {
      }
      %mul3A_440 = arith.constant 1280 : i32
      %mul3A_441 = arith.muli %add3A_432, %mul3A_440 : i32
      %add3A_442 = arith.addi %mul3A_2, %mul3A_441 : i32
      %jit3A_443 = arith.constant 128 : i32
      %div3A_444 = arith.divsi %add3A_442, %jit3A_443 : i32
      %sign3A_445 = arith.constant 0 : i32
      %sign3A_446 = arith.cmpi sgt, %add3A_442, %sign3A_445 : i32
      %sign3A_447 = arith.extui %sign3A_446 : i1 to i32
      %sign3A_448 = arith.constant 0 : i32
      %sign3A_449 = arith.cmpi slt, %add3A_442, %sign3A_448 : i32
      %sign3A_450 = arith.extui %sign3A_449 : i1 to i32
      %sign3A_451 = arith.subi %sign3A_447, %sign3A_450 : i32
      %sign3A_452 = arith.constant 0 : i32
      %sign3A_453 = arith.cmpi sgt, %jit3A_443, %sign3A_452 : i32
      %sign3A_454 = arith.extui %sign3A_453 : i1 to i32
      %sign3A_455 = arith.constant 0 : i32
      %sign3A_456 = arith.cmpi slt, %jit3A_443, %sign3A_455 : i32
      %sign3A_457 = arith.extui %sign3A_456 : i1 to i32
      %sign3A_458 = arith.subi %sign3A_454, %sign3A_457 : i32
      %ne3A_459 = arith.cmpi ne, %sign3A_451, %sign3A_458 : i32
      %rem3A_460 = arith.remsi %add3A_442, %jit3A_443 : i32
      %ne3A_461 = arith.constant 0 : i32
      %ne3A_462 = arith.cmpi ne, %rem3A_460, %ne3A_461 : i32
      %and3A_463 = arith.andi %ne3A_459, %ne3A_462 : i1
      %sub3A_464 = arith.constant 1 : i32
      %sub3A_465 = arith.subi %div3A_444, %sub3A_464 : i32
      %select_n3A_466 = arith.select %and3A_463, %sub3A_465, %div3A_444 : i32
      %dma_wait3A_467 = arith.constant 10 : i32
      %dma_wait3A_468 = arith.constant 0 : i32
      %dma_wait3A_469 = tpu.memref_slice %arg5[%dma_wait3A_467, %dma_wait3A_468] : memref<20x128xi32, #tpu.memory_space<vmem>> -> memref<10x128xi32, #tpu.memory_space<vmem>>
      %dma_wait3A_470 = arith.constant 0 : i32
      %dma_wait3A_471 = tpu.memref_slice %arg3[%select_n3A_466, %dma_wait3A_470] : memref<6400x128xi32, #tpu.memory_space<hbm>> -> memref<10x128xi32, #tpu.memory_space<hbm>>
      %dma_wait3A_472 = arith.constant 10 : i32
      %dma_wait3A_473 = arith.constant 0 : i32
      %dma_wait3A_474 = tpu.memref_slice %arg5[%dma_wait3A_472, %dma_wait3A_473] : memref<20x128xi32, #tpu.memory_space<vmem>> -> memref<10x128xi32, #tpu.memory_space<vmem>>
      %dma_wait3A_475 = arith.constant 0 : i32
      %dma_wait3A_476 = tpu.memref_slice %arg3[%select_n3A_466, %dma_wait3A_475] : memref<6400x128xi32, #tpu.memory_space<hbm>> -> memref<10x128xi32, #tpu.memory_space<hbm>>
      tpu.wait_dma2 semaphore(%arg8 : memref<!tpu.dma_semaphore, #tpu.memory_space<semaphore_mem>>) src(%dma_wait3A_476 : memref<10x128xi32, #tpu.memory_space<hbm>>) dst(%dma_wait3A_474 : memref<10x128xi32, #tpu.memory_space<vmem>>)
      %ge3A_477 = arith.constant 2 : i32
      %ge3A_478 = arith.cmpi sge, %add3A_432, %ge3A_477 : i32
      %convert_element_type3A_479 = arith.extui %ge3A_478 : i1 to i32
      %cond3A_480 = arith.constant 0 : i32
      %cond3A_481 = arith.cmpi ne, %convert_element_type3A_479, %cond3A_480 : i32
      scf.if %cond3A_481 {
        %sub3A_798 = arith.constant 2 : i32
        %sub3A_799 = arith.subi %add3A_432, %sub3A_798 : i32
        %mul3A_800 = arith.constant 1280 : i32
        %mul3A_801 = arith.muli %sub3A_799, %mul3A_800 : i32
        %add3A_802 = arith.addi %mul3A_2, %mul3A_801 : i32
        %dma_wait3A_803 = arith.constant 1 : i32
        %dma_wait3A_804 = arith.constant 0 : i32
        %dma_wait3A_805 = arith.constant 0 : i32
        %dma_wait3A_806 = tpu.memref_slice %arg6[%dma_wait3A_803, %dma_wait3A_804, %dma_wait3A_805] : memref<2x1280x16xf32, #tpu.memory_space<vmem>> -> memref<1x1280x16xf32, #tpu.memory_space<vmem>>
        %dma_wait3A_807 = tpu.memref_squeeze %dma_wait3A_806 : memref<1x1280x16xf32, #tpu.memory_space<vmem>> -> memref<1280x16xf32, #tpu.memory_space<vmem>>
        %dma_wait3A_808 = arith.constant 0 : i32
        %dma_wait3A_809 = tpu.memref_slice %arg4[%add3A_802, %dma_wait3A_808] : memref<819200x16xf32, #tpu.memory_space<hbm>> -> memref<1280x16xf32, #tpu.memory_space<hbm>>
        %dma_wait3A_810 = arith.constant 0 : i32
        %dma_wait3A_811 = tpu.memref_slice %arg4[%add3A_802, %dma_wait3A_810] : memref<819200x16xf32, #tpu.memory_space<hbm>> -> memref<1280x16xf32, #tpu.memory_space<hbm>>
        %dma_wait3A_812 = arith.constant 0 : i32
        %dma_wait3A_813 = arith.constant 0 : i32
        %dma_wait3A_814 = tpu.memref_slice %arg6[%dma_wait3A_803, %dma_wait3A_812, %dma_wait3A_813] : memref<2x1280x16xf32, #tpu.memory_space<vmem>> -> memref<1x1280x16xf32, #tpu.memory_space<vmem>>
        %dma_wait3A_815 = tpu.memref_squeeze %dma_wait3A_814 : memref<1x1280x16xf32, #tpu.memory_space<vmem>> -> memref<1280x16xf32, #tpu.memory_space<vmem>>
        tpu.wait_dma2 semaphore(%arg12 : memref<!tpu.dma_semaphore, #tpu.memory_space<semaphore_mem>>) src(%dma_wait3A_815 : memref<1280x16xf32, #tpu.memory_space<vmem>>) dst(%dma_wait3A_811 : memref<1280x16xf32, #tpu.memory_space<hbm>>)
      } else {
      }
      %dma_start3A_482 = arith.constant 10 : i32
      %dma_start3A_483 = arith.constant 1 : i32
      %dma_start3A_484 = arith.constant 0 : i32
      %dma_start3A_485 = arith.constant 0 : i32
      %dma_start3A_486 = tpu.memref_slice %arg6[%dma_start3A_483, %dma_start3A_484, %dma_start3A_485] : memref<2x1280x16xf32, #tpu.memory_space<vmem>> -> memref<1x1280x16xf32, #tpu.memory_space<vmem>>
      %dma_start3A_487 = tpu.memref_squeeze %dma_start3A_486 : memref<1x1280x16xf32, #tpu.memory_space<vmem>> -> memref<1280x16xf32, #tpu.memory_space<vmem>>
      %dma_start3A_488 = arith.constant 0 : i32
      %dma_start3A_489 = arith.constant 0 : i32
      %dma_start3A_490 = tpu.memref_slice %dma_start3A_487[%dma_start3A_488, %dma_start3A_489] : memref<1280x16xf32, #tpu.memory_space<vmem>> -> memref<128x16xf32, #tpu.memory_space<vmem>>
      %dma_start3A_491 = arith.constant 0 : i32
      %dma_start3A_492 = tpu.memref_slice %arg5[%dma_start3A_482, %dma_start3A_491] : memref<20x128xi32, #tpu.memory_space<vmem>> -> memref<1x128xi32, #tpu.memory_space<vmem>>
      %dma_start3A_493 = tpu.memref_squeeze %dma_start3A_492 : memref<1x128xi32, #tpu.memory_space<vmem>> -> memref<128xi32, #tpu.memory_space<vmem>>
      %dma_start3A_494 = arith.constant 0 : i32
      %dma_start3A_495 = arith.constant 0 : i32
      %dma_start3A_496 = tpu.memref_slice %arg2[%dma_start3A_494, %dma_start3A_495] : memref<1000000x16xf32, #tpu.memory_space<hbm>> -> memref<1000000x16xf32, #tpu.memory_space<hbm>>
      tpu.enqueue_indirect_dma source(%dma_start3A_496 : memref<1000000x16xf32, #tpu.memory_space<hbm>>) target(%dma_start3A_490 : memref<128x16xf32, #tpu.memory_space<vmem>>) offsets(%dma_start3A_493 : memref<128xi32, #tpu.memory_space<vmem>>) semaphore(%arg10 : memref<!tpu.dma_semaphore, #tpu.memory_space<semaphore_mem>>)
      %dma_start3A_497 = arith.constant 11 : i32
      %dma_start3A_498 = arith.constant 1 : i32
      %dma_start3A_499 = arith.constant 0 : i32
      %dma_start3A_500 = arith.constant 0 : i32
      %dma_start3A_501 = tpu.memref_slice %arg6[%dma_start3A_498, %dma_start3A_499, %dma_start3A_500] : memref<2x1280x16xf32, #tpu.memory_space<vmem>> -> memref<1x1280x16xf32, #tpu.memory_space<vmem>>
      %dma_start3A_502 = tpu.memref_squeeze %dma_start3A_501 : memref<1x1280x16xf32, #tpu.memory_space<vmem>> -> memref<1280x16xf32, #tpu.memory_space<vmem>>
      %dma_start3A_503 = arith.constant 128 : i32
      %dma_start3A_504 = arith.constant 0 : i32
      %dma_start3A_505 = tpu.memref_slice %dma_start3A_502[%dma_start3A_503, %dma_start3A_504] : memref<1280x16xf32, #tpu.memory_space<vmem>> -> memref<128x16xf32, #tpu.memory_space<vmem>>
      %dma_start3A_506 = arith.constant 0 : i32
      %dma_start3A_507 = tpu.memref_slice %arg5[%dma_start3A_497, %dma_start3A_506] : memref<20x128xi32, #tpu.memory_space<vmem>> -> memref<1x128xi32, #tpu.memory_space<vmem>>
      %dma_start3A_508 = tpu.memref_squeeze %dma_start3A_507 : memref<1x128xi32, #tpu.memory_space<vmem>> -> memref<128xi32, #tpu.memory_space<vmem>>
      %dma_start3A_509 = arith.constant 0 : i32
      %dma_start3A_510 = arith.constant 0 : i32
      %dma_start3A_511 = tpu.memref_slice %arg2[%dma_start3A_509, %dma_start3A_510] : memref<1000000x16xf32, #tpu.memory_space<hbm>> -> memref<1000000x16xf32, #tpu.memory_space<hbm>>
      tpu.enqueue_indirect_dma source(%dma_start3A_511 : memref<1000000x16xf32, #tpu.memory_space<hbm>>) target(%dma_start3A_505 : memref<128x16xf32, #tpu.memory_space<vmem>>) offsets(%dma_start3A_508 : memref<128xi32, #tpu.memory_space<vmem>>) semaphore(%arg10 : memref<!tpu.dma_semaphore, #tpu.memory_space<semaphore_mem>>)
      %dma_start3A_512 = arith.constant 12 : i32
      %dma_start3A_513 = arith.constant 1 : i32
      %dma_start3A_514 = arith.constant 0 : i32
      %dma_start3A_515 = arith.constant 0 : i32
      %dma_start3A_516 = tpu.memref_slice %arg6[%dma_start3A_513, %dma_start3A_514, %dma_start3A_515] : memref<2x1280x16xf32, #tpu.memory_space<vmem>> -> memref<1x1280x16xf32, #tpu.memory_space<vmem>>
      %dma_start3A_517 = tpu.memref_squeeze %dma_start3A_516 : memref<1x1280x16xf32, #tpu.memory_space<vmem>> -> memref<1280x16xf32, #tpu.memory_space<vmem>>
      %dma_start3A_518 = arith.constant 256 : i32
      %dma_start3A_519 = arith.constant 0 : i32
      %dma_start3A_520 = tpu.memref_slice %dma_start3A_517[%dma_start3A_518, %dma_start3A_519] : memref<1280x16xf32, #tpu.memory_space<vmem>> -> memref<128x16xf32, #tpu.memory_space<vmem>>
      %dma_start3A_521 = arith.constant 0 : i32
      %dma_start3A_522 = tpu.memref_slice %arg5[%dma_start3A_512, %dma_start3A_521] : memref<20x128xi32, #tpu.memory_space<vmem>> -> memref<1x128xi32, #tpu.memory_space<vmem>>
      %dma_start3A_523 = tpu.memref_squeeze %dma_start3A_522 : memref<1x128xi32, #tpu.memory_space<vmem>> -> memref<128xi32, #tpu.memory_space<vmem>>
      %dma_start3A_524 = arith.constant 0 : i32
      %dma_start3A_525 = arith.constant 0 : i32
      %dma_start3A_526 = tpu.memref_slice %arg2[%dma_start3A_524, %dma_start3A_525] : memref<1000000x16xf32, #tpu.memory_space<hbm>> -> memref<1000000x16xf32, #tpu.memory_space<hbm>>
      tpu.enqueue_indirect_dma source(%dma_start3A_526 : memref<1000000x16xf32, #tpu.memory_space<hbm>>) target(%dma_start3A_520 : memref<128x16xf32, #tpu.memory_space<vmem>>) offsets(%dma_start3A_523 : memref<128xi32, #tpu.memory_space<vmem>>) semaphore(%arg10 : memref<!tpu.dma_semaphore, #tpu.memory_space<semaphore_mem>>)
      %dma_start3A_527 = arith.constant 13 : i32
      %dma_start3A_528 = arith.constant 1 : i32
      %dma_start3A_529 = arith.constant 0 : i32
      %dma_start3A_530 = arith.constant 0 : i32
      %dma_start3A_531 = tpu.memref_slice %arg6[%dma_start3A_528, %dma_start3A_529, %dma_start3A_530] : memref<2x1280x16xf32, #tpu.memory_space<vmem>> -> memref<1x1280x16xf32, #tpu.memory_space<vmem>>
      %dma_start3A_532 = tpu.memref_squeeze %dma_start3A_531 : memref<1x1280x16xf32, #tpu.memory_space<vmem>> -> memref<1280x16xf32, #tpu.memory_space<vmem>>
      %dma_start3A_533 = arith.constant 384 : i32
      %dma_start3A_534 = arith.constant 0 : i32
      %dma_start3A_535 = tpu.memref_slice %dma_start3A_532[%dma_start3A_533, %dma_start3A_534] : memref<1280x16xf32, #tpu.memory_space<vmem>> -> memref<128x16xf32, #tpu.memory_space<vmem>>
      %dma_start3A_536 = arith.constant 0 : i32
      %dma_start3A_537 = tpu.memref_slice %arg5[%dma_start3A_527, %dma_start3A_536] : memref<20x128xi32, #tpu.memory_space<vmem>> -> memref<1x128xi32, #tpu.memory_space<vmem>>
      %dma_start3A_538 = tpu.memref_squeeze %dma_start3A_537 : memref<1x128xi32, #tpu.memory_space<vmem>> -> memref<128xi32, #tpu.memory_space<vmem>>
      %dma_start3A_539 = arith.constant 0 : i32
      %dma_start3A_540 = arith.constant 0 : i32
      %dma_start3A_541 = tpu.memref_slice %arg2[%dma_start3A_539, %dma_start3A_540] : memref<1000000x16xf32, #tpu.memory_space<hbm>> -> memref<1000000x16xf32, #tpu.memory_space<hbm>>
      tpu.enqueue_indirect_dma source(%dma_start3A_541 : memref<1000000x16xf32, #tpu.memory_space<hbm>>) target(%dma_start3A_535 : memref<128x16xf32, #tpu.memory_space<vmem>>) offsets(%dma_start3A_538 : memref<128xi32, #tpu.memory_space<vmem>>) semaphore(%arg10 : memref<!tpu.dma_semaphore, #tpu.memory_space<semaphore_mem>>)
      %dma_start3A_542 = arith.constant 14 : i32
      %dma_start3A_543 = arith.constant 1 : i32
      %dma_start3A_544 = arith.constant 0 : i32
      %dma_start3A_545 = arith.constant 0 : i32
      %dma_start3A_546 = tpu.memref_slice %arg6[%dma_start3A_543, %dma_start3A_544, %dma_start3A_545] : memref<2x1280x16xf32, #tpu.memory_space<vmem>> -> memref<1x1280x16xf32, #tpu.memory_space<vmem>>
      %dma_start3A_547 = tpu.memref_squeeze %dma_start3A_546 : memref<1x1280x16xf32, #tpu.memory_space<vmem>> -> memref<1280x16xf32, #tpu.memory_space<vmem>>
      %dma_start3A_548 = arith.constant 512 : i32
      %dma_start3A_549 = arith.constant 0 : i32
      %dma_start3A_550 = tpu.memref_slice %dma_start3A_547[%dma_start3A_548, %dma_start3A_549] : memref<1280x16xf32, #tpu.memory_space<vmem>> -> memref<128x16xf32, #tpu.memory_space<vmem>>
      %dma_start3A_551 = arith.constant 0 : i32
      %dma_start3A_552 = tpu.memref_slice %arg5[%dma_start3A_542, %dma_start3A_551] : memref<20x128xi32, #tpu.memory_space<vmem>> -> memref<1x128xi32, #tpu.memory_space<vmem>>
      %dma_start3A_553 = tpu.memref_squeeze %dma_start3A_552 : memref<1x128xi32, #tpu.memory_space<vmem>> -> memref<128xi32, #tpu.memory_space<vmem>>
      %dma_start3A_554 = arith.constant 0 : i32
      %dma_start3A_555 = arith.constant 0 : i32
      %dma_start3A_556 = tpu.memref_slice %arg2[%dma_start3A_554, %dma_start3A_555] : memref<1000000x16xf32, #tpu.memory_space<hbm>> -> memref<1000000x16xf32, #tpu.memory_space<hbm>>
      tpu.enqueue_indirect_dma source(%dma_start3A_556 : memref<1000000x16xf32, #tpu.memory_space<hbm>>) target(%dma_start3A_550 : memref<128x16xf32, #tpu.memory_space<vmem>>) offsets(%dma_start3A_553 : memref<128xi32, #tpu.memory_space<vmem>>) semaphore(%arg10 : memref<!tpu.dma_semaphore, #tpu.memory_space<semaphore_mem>>)
      %dma_start3A_557 = arith.constant 15 : i32
      %dma_start3A_558 = arith.constant 1 : i32
      %dma_start3A_559 = arith.constant 0 : i32
      %dma_start3A_560 = arith.constant 0 : i32
      %dma_start3A_561 = tpu.memref_slice %arg6[%dma_start3A_558, %dma_start3A_559, %dma_start3A_560] : memref<2x1280x16xf32, #tpu.memory_space<vmem>> -> memref<1x1280x16xf32, #tpu.memory_space<vmem>>
      %dma_start3A_562 = tpu.memref_squeeze %dma_start3A_561 : memref<1x1280x16xf32, #tpu.memory_space<vmem>> -> memref<1280x16xf32, #tpu.memory_space<vmem>>
      %dma_start3A_563 = arith.constant 640 : i32
      %dma_start3A_564 = arith.constant 0 : i32
      %dma_start3A_565 = tpu.memref_slice %dma_start3A_562[%dma_start3A_563, %dma_start3A_564] : memref<1280x16xf32, #tpu.memory_space<vmem>> -> memref<128x16xf32, #tpu.memory_space<vmem>>
      %dma_start3A_566 = arith.constant 0 : i32
      %dma_start3A_567 = tpu.memref_slice %arg5[%dma_start3A_557, %dma_start3A_566] : memref<20x128xi32, #tpu.memory_space<vmem>> -> memref<1x128xi32, #tpu.memory_space<vmem>>
      %dma_start3A_568 = tpu.memref_squeeze %dma_start3A_567 : memref<1x128xi32, #tpu.memory_space<vmem>> -> memref<128xi32, #tpu.memory_space<vmem>>
      %dma_start3A_569 = arith.constant 0 : i32
      %dma_start3A_570 = arith.constant 0 : i32
      %dma_start3A_571 = tpu.memref_slice %arg2[%dma_start3A_569, %dma_start3A_570] : memref<1000000x16xf32, #tpu.memory_space<hbm>> -> memref<1000000x16xf32, #tpu.memory_space<hbm>>
      tpu.enqueue_indirect_dma source(%dma_start3A_571 : memref<1000000x16xf32, #tpu.memory_space<hbm>>) target(%dma_start3A_565 : memref<128x16xf32, #tpu.memory_space<vmem>>) offsets(%dma_start3A_568 : memref<128xi32, #tpu.memory_space<vmem>>) semaphore(%arg10 : memref<!tpu.dma_semaphore, #tpu.memory_space<semaphore_mem>>)
      %dma_start3A_572 = arith.constant 16 : i32
      %dma_start3A_573 = arith.constant 1 : i32
      %dma_start3A_574 = arith.constant 0 : i32
      %dma_start3A_575 = arith.constant 0 : i32
      %dma_start3A_576 = tpu.memref_slice %arg6[%dma_start3A_573, %dma_start3A_574, %dma_start3A_575] : memref<2x1280x16xf32, #tpu.memory_space<vmem>> -> memref<1x1280x16xf32, #tpu.memory_space<vmem>>
      %dma_start3A_577 = tpu.memref_squeeze %dma_start3A_576 : memref<1x1280x16xf32, #tpu.memory_space<vmem>> -> memref<1280x16xf32, #tpu.memory_space<vmem>>
      %dma_start3A_578 = arith.constant 768 : i32
      %dma_start3A_579 = arith.constant 0 : i32
      %dma_start3A_580 = tpu.memref_slice %dma_start3A_577[%dma_start3A_578, %dma_start3A_579] : memref<1280x16xf32, #tpu.memory_space<vmem>> -> memref<128x16xf32, #tpu.memory_space<vmem>>
      %dma_start3A_581 = arith.constant 0 : i32
      %dma_start3A_582 = tpu.memref_slice %arg5[%dma_start3A_572, %dma_start3A_581] : memref<20x128xi32, #tpu.memory_space<vmem>> -> memref<1x128xi32, #tpu.memory_space<vmem>>
      %dma_start3A_583 = tpu.memref_squeeze %dma_start3A_582 : memref<1x128xi32, #tpu.memory_space<vmem>> -> memref<128xi32, #tpu.memory_space<vmem>>
      %dma_start3A_584 = arith.constant 0 : i32
      %dma_start3A_585 = arith.constant 0 : i32
      %dma_start3A_586 = tpu.memref_slice %arg2[%dma_start3A_584, %dma_start3A_585] : memref<1000000x16xf32, #tpu.memory_space<hbm>> -> memref<1000000x16xf32, #tpu.memory_space<hbm>>
      tpu.enqueue_indirect_dma source(%dma_start3A_586 : memref<1000000x16xf32, #tpu.memory_space<hbm>>) target(%dma_start3A_580 : memref<128x16xf32, #tpu.memory_space<vmem>>) offsets(%dma_start3A_583 : memref<128xi32, #tpu.memory_space<vmem>>) semaphore(%arg10 : memref<!tpu.dma_semaphore, #tpu.memory_space<semaphore_mem>>)
      %dma_start3A_587 = arith.constant 17 : i32
      %dma_start3A_588 = arith.constant 1 : i32
      %dma_start3A_589 = arith.constant 0 : i32
      %dma_start3A_590 = arith.constant 0 : i32
      %dma_start3A_591 = tpu.memref_slice %arg6[%dma_start3A_588, %dma_start3A_589, %dma_start3A_590] : memref<2x1280x16xf32, #tpu.memory_space<vmem>> -> memref<1x1280x16xf32, #tpu.memory_space<vmem>>
      %dma_start3A_592 = tpu.memref_squeeze %dma_start3A_591 : memref<1x1280x16xf32, #tpu.memory_space<vmem>> -> memref<1280x16xf32, #tpu.memory_space<vmem>>
      %dma_start3A_593 = arith.constant 896 : i32
      %dma_start3A_594 = arith.constant 0 : i32
      %dma_start3A_595 = tpu.memref_slice %dma_start3A_592[%dma_start3A_593, %dma_start3A_594] : memref<1280x16xf32, #tpu.memory_space<vmem>> -> memref<128x16xf32, #tpu.memory_space<vmem>>
      %dma_start3A_596 = arith.constant 0 : i32
      %dma_start3A_597 = tpu.memref_slice %arg5[%dma_start3A_587, %dma_start3A_596] : memref<20x128xi32, #tpu.memory_space<vmem>> -> memref<1x128xi32, #tpu.memory_space<vmem>>
      %dma_start3A_598 = tpu.memref_squeeze %dma_start3A_597 : memref<1x128xi32, #tpu.memory_space<vmem>> -> memref<128xi32, #tpu.memory_space<vmem>>
      %dma_start3A_599 = arith.constant 0 : i32
      %dma_start3A_600 = arith.constant 0 : i32
      %dma_start3A_601 = tpu.memref_slice %arg2[%dma_start3A_599, %dma_start3A_600] : memref<1000000x16xf32, #tpu.memory_space<hbm>> -> memref<1000000x16xf32, #tpu.memory_space<hbm>>
      tpu.enqueue_indirect_dma source(%dma_start3A_601 : memref<1000000x16xf32, #tpu.memory_space<hbm>>) target(%dma_start3A_595 : memref<128x16xf32, #tpu.memory_space<vmem>>) offsets(%dma_start3A_598 : memref<128xi32, #tpu.memory_space<vmem>>) semaphore(%arg10 : memref<!tpu.dma_semaphore, #tpu.memory_space<semaphore_mem>>)
      %dma_start3A_602 = arith.constant 18 : i32
      %dma_start3A_603 = arith.constant 1 : i32
      %dma_start3A_604 = arith.constant 0 : i32
      %dma_start3A_605 = arith.constant 0 : i32
      %dma_start3A_606 = tpu.memref_slice %arg6[%dma_start3A_603, %dma_start3A_604, %dma_start3A_605] : memref<2x1280x16xf32, #tpu.memory_space<vmem>> -> memref<1x1280x16xf32, #tpu.memory_space<vmem>>
      %dma_start3A_607 = tpu.memref_squeeze %dma_start3A_606 : memref<1x1280x16xf32, #tpu.memory_space<vmem>> -> memref<1280x16xf32, #tpu.memory_space<vmem>>
      %dma_start3A_608 = arith.constant 1024 : i32
      %dma_start3A_609 = arith.constant 0 : i32
      %dma_start3A_610 = tpu.memref_slice %dma_start3A_607[%dma_start3A_608, %dma_start3A_609] : memref<1280x16xf32, #tpu.memory_space<vmem>> -> memref<128x16xf32, #tpu.memory_space<vmem>>
      %dma_start3A_611 = arith.constant 0 : i32
      %dma_start3A_612 = tpu.memref_slice %arg5[%dma_start3A_602, %dma_start3A_611] : memref<20x128xi32, #tpu.memory_space<vmem>> -> memref<1x128xi32, #tpu.memory_space<vmem>>
      %dma_start3A_613 = tpu.memref_squeeze %dma_start3A_612 : memref<1x128xi32, #tpu.memory_space<vmem>> -> memref<128xi32, #tpu.memory_space<vmem>>
      %dma_start3A_614 = arith.constant 0 : i32
      %dma_start3A_615 = arith.constant 0 : i32
      %dma_start3A_616 = tpu.memref_slice %arg2[%dma_start3A_614, %dma_start3A_615] : memref<1000000x16xf32, #tpu.memory_space<hbm>> -> memref<1000000x16xf32, #tpu.memory_space<hbm>>
      tpu.enqueue_indirect_dma source(%dma_start3A_616 : memref<1000000x16xf32, #tpu.memory_space<hbm>>) target(%dma_start3A_610 : memref<128x16xf32, #tpu.memory_space<vmem>>) offsets(%dma_start3A_613 : memref<128xi32, #tpu.memory_space<vmem>>) semaphore(%arg10 : memref<!tpu.dma_semaphore, #tpu.memory_space<semaphore_mem>>)
      %dma_start3A_617 = arith.constant 19 : i32
      %dma_start3A_618 = arith.constant 1 : i32
      %dma_start3A_619 = arith.constant 0 : i32
      %dma_start3A_620 = arith.constant 0 : i32
      %dma_start3A_621 = tpu.memref_slice %arg6[%dma_start3A_618, %dma_start3A_619, %dma_start3A_620] : memref<2x1280x16xf32, #tpu.memory_space<vmem>> -> memref<1x1280x16xf32, #tpu.memory_space<vmem>>
      %dma_start3A_622 = tpu.memref_squeeze %dma_start3A_621 : memref<1x1280x16xf32, #tpu.memory_space<vmem>> -> memref<1280x16xf32, #tpu.memory_space<vmem>>
      %dma_start3A_623 = arith.constant 1152 : i32
      %dma_start3A_624 = arith.constant 0 : i32
      %dma_start3A_625 = tpu.memref_slice %dma_start3A_622[%dma_start3A_623, %dma_start3A_624] : memref<1280x16xf32, #tpu.memory_space<vmem>> -> memref<128x16xf32, #tpu.memory_space<vmem>>
      %dma_start3A_626 = arith.constant 0 : i32
      %dma_start3A_627 = tpu.memref_slice %arg5[%dma_start3A_617, %dma_start3A_626] : memref<20x128xi32, #tpu.memory_space<vmem>> -> memref<1x128xi32, #tpu.memory_space<vmem>>
      %dma_start3A_628 = tpu.memref_squeeze %dma_start3A_627 : memref<1x128xi32, #tpu.memory_space<vmem>> -> memref<128xi32, #tpu.memory_space<vmem>>
      %dma_start3A_629 = arith.constant 0 : i32
      %dma_start3A_630 = arith.constant 0 : i32
      %dma_start3A_631 = tpu.memref_slice %arg2[%dma_start3A_629, %dma_start3A_630] : memref<1000000x16xf32, #tpu.memory_space<hbm>> -> memref<1000000x16xf32, #tpu.memory_space<hbm>>
      tpu.enqueue_indirect_dma source(%dma_start3A_631 : memref<1000000x16xf32, #tpu.memory_space<hbm>>) target(%dma_start3A_625 : memref<128x16xf32, #tpu.memory_space<vmem>>) offsets(%dma_start3A_628 : memref<128xi32, #tpu.memory_space<vmem>>) semaphore(%arg10 : memref<!tpu.dma_semaphore, #tpu.memory_space<semaphore_mem>>)
      %dma_wait3A_632 = arith.constant 10 : i32
      %dma_wait3A_633 = arith.constant 1 : i32
      %dma_wait3A_634 = arith.constant 0 : i32
      %dma_wait3A_635 = arith.constant 0 : i32
      %dma_wait3A_636 = tpu.memref_slice %arg6[%dma_wait3A_633, %dma_wait3A_634, %dma_wait3A_635] : memref<2x1280x16xf32, #tpu.memory_space<vmem>> -> memref<1x1280x16xf32, #tpu.memory_space<vmem>>
      %dma_wait3A_637 = tpu.memref_squeeze %dma_wait3A_636 : memref<1x1280x16xf32, #tpu.memory_space<vmem>> -> memref<1280x16xf32, #tpu.memory_space<vmem>>
      %dma_wait3A_638 = arith.constant 0 : i32
      %dma_wait3A_639 = arith.constant 0 : i32
      %dma_wait3A_640 = tpu.memref_slice %dma_wait3A_637[%dma_wait3A_638, %dma_wait3A_639] : memref<1280x16xf32, #tpu.memory_space<vmem>> -> memref<128x16xf32, #tpu.memory_space<vmem>>
      %dma_wait3A_641 = arith.constant 0 : i32
      %dma_wait3A_642 = tpu.memref_slice %arg5[%dma_wait3A_632, %dma_wait3A_641] : memref<20x128xi32, #tpu.memory_space<vmem>> -> memref<1x128xi32, #tpu.memory_space<vmem>>
      %dma_wait3A_643 = tpu.memref_squeeze %dma_wait3A_642 : memref<1x128xi32, #tpu.memory_space<vmem>> -> memref<128xi32, #tpu.memory_space<vmem>>
      %dma_wait3A_644 = arith.constant 0 : i32
      %dma_wait3A_645 = arith.constant 0 : i32
      %dma_wait3A_646 = tpu.memref_slice %arg2[%dma_wait3A_644, %dma_wait3A_645] : memref<1000000x16xf32, #tpu.memory_space<hbm>> -> memref<1000000x16xf32, #tpu.memory_space<hbm>>
      tpu.wait_indirect_dma semaphore(%arg10 : memref<!tpu.dma_semaphore, #tpu.memory_space<semaphore_mem>>) src(%dma_wait3A_646 : memref<1000000x16xf32, #tpu.memory_space<hbm>>) dst(%dma_wait3A_640 : memref<128x16xf32, #tpu.memory_space<vmem>>)
      %dma_wait3A_647 = arith.constant 11 : i32
      %dma_wait3A_648 = arith.constant 1 : i32
      %dma_wait3A_649 = arith.constant 0 : i32
      %dma_wait3A_650 = arith.constant 0 : i32
      %dma_wait3A_651 = tpu.memref_slice %arg6[%dma_wait3A_648, %dma_wait3A_649, %dma_wait3A_650] : memref<2x1280x16xf32, #tpu.memory_space<vmem>> -> memref<1x1280x16xf32, #tpu.memory_space<vmem>>
      %dma_wait3A_652 = tpu.memref_squeeze %dma_wait3A_651 : memref<1x1280x16xf32, #tpu.memory_space<vmem>> -> memref<1280x16xf32, #tpu.memory_space<vmem>>
      %dma_wait3A_653 = arith.constant 128 : i32
      %dma_wait3A_654 = arith.constant 0 : i32
      %dma_wait3A_655 = tpu.memref_slice %dma_wait3A_652[%dma_wait3A_653, %dma_wait3A_654] : memref<1280x16xf32, #tpu.memory_space<vmem>> -> memref<128x16xf32, #tpu.memory_space<vmem>>
      %dma_wait3A_656 = arith.constant 0 : i32
      %dma_wait3A_657 = tpu.memref_slice %arg5[%dma_wait3A_647, %dma_wait3A_656] : memref<20x128xi32, #tpu.memory_space<vmem>> -> memref<1x128xi32, #tpu.memory_space<vmem>>
      %dma_wait3A_658 = tpu.memref_squeeze %dma_wait3A_657 : memref<1x128xi32, #tpu.memory_space<vmem>> -> memref<128xi32, #tpu.memory_space<vmem>>
      %dma_wait3A_659 = arith.constant 0 : i32
      %dma_wait3A_660 = arith.constant 0 : i32
      %dma_wait3A_661 = tpu.memref_slice %arg2[%dma_wait3A_659, %dma_wait3A_660] : memref<1000000x16xf32, #tpu.memory_space<hbm>> -> memref<1000000x16xf32, #tpu.memory_space<hbm>>
      tpu.wait_indirect_dma semaphore(%arg10 : memref<!tpu.dma_semaphore, #tpu.memory_space<semaphore_mem>>) src(%dma_wait3A_661 : memref<1000000x16xf32, #tpu.memory_space<hbm>>) dst(%dma_wait3A_655 : memref<128x16xf32, #tpu.memory_space<vmem>>)
      %dma_wait3A_662 = arith.constant 12 : i32
      %dma_wait3A_663 = arith.constant 1 : i32
      %dma_wait3A_664 = arith.constant 0 : i32
      %dma_wait3A_665 = arith.constant 0 : i32
      %dma_wait3A_666 = tpu.memref_slice %arg6[%dma_wait3A_663, %dma_wait3A_664, %dma_wait3A_665] : memref<2x1280x16xf32, #tpu.memory_space<vmem>> -> memref<1x1280x16xf32, #tpu.memory_space<vmem>>
      %dma_wait3A_667 = tpu.memref_squeeze %dma_wait3A_666 : memref<1x1280x16xf32, #tpu.memory_space<vmem>> -> memref<1280x16xf32, #tpu.memory_space<vmem>>
      %dma_wait3A_668 = arith.constant 256 : i32
      %dma_wait3A_669 = arith.constant 0 : i32
      %dma_wait3A_670 = tpu.memref_slice %dma_wait3A_667[%dma_wait3A_668, %dma_wait3A_669] : memref<1280x16xf32, #tpu.memory_space<vmem>> -> memref<128x16xf32, #tpu.memory_space<vmem>>
      %dma_wait3A_671 = arith.constant 0 : i32
      %dma_wait3A_672 = tpu.memref_slice %arg5[%dma_wait3A_662, %dma_wait3A_671] : memref<20x128xi32, #tpu.memory_space<vmem>> -> memref<1x128xi32, #tpu.memory_space<vmem>>
      %dma_wait3A_673 = tpu.memref_squeeze %dma_wait3A_672 : memref<1x128xi32, #tpu.memory_space<vmem>> -> memref<128xi32, #tpu.memory_space<vmem>>
      %dma_wait3A_674 = arith.constant 0 : i32
      %dma_wait3A_675 = arith.constant 0 : i32
      %dma_wait3A_676 = tpu.memref_slice %arg2[%dma_wait3A_674, %dma_wait3A_675] : memref<1000000x16xf32, #tpu.memory_space<hbm>> -> memref<1000000x16xf32, #tpu.memory_space<hbm>>
      tpu.wait_indirect_dma semaphore(%arg10 : memref<!tpu.dma_semaphore, #tpu.memory_space<semaphore_mem>>) src(%dma_wait3A_676 : memref<1000000x16xf32, #tpu.memory_space<hbm>>) dst(%dma_wait3A_670 : memref<128x16xf32, #tpu.memory_space<vmem>>)
      %dma_wait3A_677 = arith.constant 13 : i32
      %dma_wait3A_678 = arith.constant 1 : i32
      %dma_wait3A_679 = arith.constant 0 : i32
      %dma_wait3A_680 = arith.constant 0 : i32
      %dma_wait3A_681 = tpu.memref_slice %arg6[%dma_wait3A_678, %dma_wait3A_679, %dma_wait3A_680] : memref<2x1280x16xf32, #tpu.memory_space<vmem>> -> memref<1x1280x16xf32, #tpu.memory_space<vmem>>
      %dma_wait3A_682 = tpu.memref_squeeze %dma_wait3A_681 : memref<1x1280x16xf32, #tpu.memory_space<vmem>> -> memref<1280x16xf32, #tpu.memory_space<vmem>>
      %dma_wait3A_683 = arith.constant 384 : i32
      %dma_wait3A_684 = arith.constant 0 : i32
      %dma_wait3A_685 = tpu.memref_slice %dma_wait3A_682[%dma_wait3A_683, %dma_wait3A_684] : memref<1280x16xf32, #tpu.memory_space<vmem>> -> memref<128x16xf32, #tpu.memory_space<vmem>>
      %dma_wait3A_686 = arith.constant 0 : i32
      %dma_wait3A_687 = tpu.memref_slice %arg5[%dma_wait3A_677, %dma_wait3A_686] : memref<20x128xi32, #tpu.memory_space<vmem>> -> memref<1x128xi32, #tpu.memory_space<vmem>>
      %dma_wait3A_688 = tpu.memref_squeeze %dma_wait3A_687 : memref<1x128xi32, #tpu.memory_space<vmem>> -> memref<128xi32, #tpu.memory_space<vmem>>
      %dma_wait3A_689 = arith.constant 0 : i32
      %dma_wait3A_690 = arith.constant 0 : i32
      %dma_wait3A_691 = tpu.memref_slice %arg2[%dma_wait3A_689, %dma_wait3A_690] : memref<1000000x16xf32, #tpu.memory_space<hbm>> -> memref<1000000x16xf32, #tpu.memory_space<hbm>>
      tpu.wait_indirect_dma semaphore(%arg10 : memref<!tpu.dma_semaphore, #tpu.memory_space<semaphore_mem>>) src(%dma_wait3A_691 : memref<1000000x16xf32, #tpu.memory_space<hbm>>) dst(%dma_wait3A_685 : memref<128x16xf32, #tpu.memory_space<vmem>>)
      %dma_wait3A_692 = arith.constant 14 : i32
      %dma_wait3A_693 = arith.constant 1 : i32
      %dma_wait3A_694 = arith.constant 0 : i32
      %dma_wait3A_695 = arith.constant 0 : i32
      %dma_wait3A_696 = tpu.memref_slice %arg6[%dma_wait3A_693, %dma_wait3A_694, %dma_wait3A_695] : memref<2x1280x16xf32, #tpu.memory_space<vmem>> -> memref<1x1280x16xf32, #tpu.memory_space<vmem>>
      %dma_wait3A_697 = tpu.memref_squeeze %dma_wait3A_696 : memref<1x1280x16xf32, #tpu.memory_space<vmem>> -> memref<1280x16xf32, #tpu.memory_space<vmem>>
      %dma_wait3A_698 = arith.constant 512 : i32
      %dma_wait3A_699 = arith.constant 0 : i32
      %dma_wait3A_700 = tpu.memref_slice %dma_wait3A_697[%dma_wait3A_698, %dma_wait3A_699] : memref<1280x16xf32, #tpu.memory_space<vmem>> -> memref<128x16xf32, #tpu.memory_space<vmem>>
      %dma_wait3A_701 = arith.constant 0 : i32
      %dma_wait3A_702 = tpu.memref_slice %arg5[%dma_wait3A_692, %dma_wait3A_701] : memref<20x128xi32, #tpu.memory_space<vmem>> -> memref<1x128xi32, #tpu.memory_space<vmem>>
      %dma_wait3A_703 = tpu.memref_squeeze %dma_wait3A_702 : memref<1x128xi32, #tpu.memory_space<vmem>> -> memref<128xi32, #tpu.memory_space<vmem>>
      %dma_wait3A_704 = arith.constant 0 : i32
      %dma_wait3A_705 = arith.constant 0 : i32
      %dma_wait3A_706 = tpu.memref_slice %arg2[%dma_wait3A_704, %dma_wait3A_705] : memref<1000000x16xf32, #tpu.memory_space<hbm>> -> memref<1000000x16xf32, #tpu.memory_space<hbm>>
      tpu.wait_indirect_dma semaphore(%arg10 : memref<!tpu.dma_semaphore, #tpu.memory_space<semaphore_mem>>) src(%dma_wait3A_706 : memref<1000000x16xf32, #tpu.memory_space<hbm>>) dst(%dma_wait3A_700 : memref<128x16xf32, #tpu.memory_space<vmem>>)
      %dma_wait3A_707 = arith.constant 15 : i32
      %dma_wait3A_708 = arith.constant 1 : i32
      %dma_wait3A_709 = arith.constant 0 : i32
      %dma_wait3A_710 = arith.constant 0 : i32
      %dma_wait3A_711 = tpu.memref_slice %arg6[%dma_wait3A_708, %dma_wait3A_709, %dma_wait3A_710] : memref<2x1280x16xf32, #tpu.memory_space<vmem>> -> memref<1x1280x16xf32, #tpu.memory_space<vmem>>
      %dma_wait3A_712 = tpu.memref_squeeze %dma_wait3A_711 : memref<1x1280x16xf32, #tpu.memory_space<vmem>> -> memref<1280x16xf32, #tpu.memory_space<vmem>>
      %dma_wait3A_713 = arith.constant 640 : i32
      %dma_wait3A_714 = arith.constant 0 : i32
      %dma_wait3A_715 = tpu.memref_slice %dma_wait3A_712[%dma_wait3A_713, %dma_wait3A_714] : memref<1280x16xf32, #tpu.memory_space<vmem>> -> memref<128x16xf32, #tpu.memory_space<vmem>>
      %dma_wait3A_716 = arith.constant 0 : i32
      %dma_wait3A_717 = tpu.memref_slice %arg5[%dma_wait3A_707, %dma_wait3A_716] : memref<20x128xi32, #tpu.memory_space<vmem>> -> memref<1x128xi32, #tpu.memory_space<vmem>>
      %dma_wait3A_718 = tpu.memref_squeeze %dma_wait3A_717 : memref<1x128xi32, #tpu.memory_space<vmem>> -> memref<128xi32, #tpu.memory_space<vmem>>
      %dma_wait3A_719 = arith.constant 0 : i32
      %dma_wait3A_720 = arith.constant 0 : i32
      %dma_wait3A_721 = tpu.memref_slice %arg2[%dma_wait3A_719, %dma_wait3A_720] : memref<1000000x16xf32, #tpu.memory_space<hbm>> -> memref<1000000x16xf32, #tpu.memory_space<hbm>>
      tpu.wait_indirect_dma semaphore(%arg10 : memref<!tpu.dma_semaphore, #tpu.memory_space<semaphore_mem>>) src(%dma_wait3A_721 : memref<1000000x16xf32, #tpu.memory_space<hbm>>) dst(%dma_wait3A_715 : memref<128x16xf32, #tpu.memory_space<vmem>>)
      %dma_wait3A_722 = arith.constant 16 : i32
      %dma_wait3A_723 = arith.constant 1 : i32
      %dma_wait3A_724 = arith.constant 0 : i32
      %dma_wait3A_725 = arith.constant 0 : i32
      %dma_wait3A_726 = tpu.memref_slice %arg6[%dma_wait3A_723, %dma_wait3A_724, %dma_wait3A_725] : memref<2x1280x16xf32, #tpu.memory_space<vmem>> -> memref<1x1280x16xf32, #tpu.memory_space<vmem>>
      %dma_wait3A_727 = tpu.memref_squeeze %dma_wait3A_726 : memref<1x1280x16xf32, #tpu.memory_space<vmem>> -> memref<1280x16xf32, #tpu.memory_space<vmem>>
      %dma_wait3A_728 = arith.constant 768 : i32
      %dma_wait3A_729 = arith.constant 0 : i32
      %dma_wait3A_730 = tpu.memref_slice %dma_wait3A_727[%dma_wait3A_728, %dma_wait3A_729] : memref<1280x16xf32, #tpu.memory_space<vmem>> -> memref<128x16xf32, #tpu.memory_space<vmem>>
      %dma_wait3A_731 = arith.constant 0 : i32
      %dma_wait3A_732 = tpu.memref_slice %arg5[%dma_wait3A_722, %dma_wait3A_731] : memref<20x128xi32, #tpu.memory_space<vmem>> -> memref<1x128xi32, #tpu.memory_space<vmem>>
      %dma_wait3A_733 = tpu.memref_squeeze %dma_wait3A_732 : memref<1x128xi32, #tpu.memory_space<vmem>> -> memref<128xi32, #tpu.memory_space<vmem>>
      %dma_wait3A_734 = arith.constant 0 : i32
      %dma_wait3A_735 = arith.constant 0 : i32
      %dma_wait3A_736 = tpu.memref_slice %arg2[%dma_wait3A_734, %dma_wait3A_735] : memref<1000000x16xf32, #tpu.memory_space<hbm>> -> memref<1000000x16xf32, #tpu.memory_space<hbm>>
      tpu.wait_indirect_dma semaphore(%arg10 : memref<!tpu.dma_semaphore, #tpu.memory_space<semaphore_mem>>) src(%dma_wait3A_736 : memref<1000000x16xf32, #tpu.memory_space<hbm>>) dst(%dma_wait3A_730 : memref<128x16xf32, #tpu.memory_space<vmem>>)
      %dma_wait3A_737 = arith.constant 17 : i32
      %dma_wait3A_738 = arith.constant 1 : i32
      %dma_wait3A_739 = arith.constant 0 : i32
      %dma_wait3A_740 = arith.constant 0 : i32
      %dma_wait3A_741 = tpu.memref_slice %arg6[%dma_wait3A_738, %dma_wait3A_739, %dma_wait3A_740] : memref<2x1280x16xf32, #tpu.memory_space<vmem>> -> memref<1x1280x16xf32, #tpu.memory_space<vmem>>
      %dma_wait3A_742 = tpu.memref_squeeze %dma_wait3A_741 : memref<1x1280x16xf32, #tpu.memory_space<vmem>> -> memref<1280x16xf32, #tpu.memory_space<vmem>>
      %dma_wait3A_743 = arith.constant 896 : i32
      %dma_wait3A_744 = arith.constant 0 : i32
      %dma_wait3A_745 = tpu.memref_slice %dma_wait3A_742[%dma_wait3A_743, %dma_wait3A_744] : memref<1280x16xf32, #tpu.memory_space<vmem>> -> memref<128x16xf32, #tpu.memory_space<vmem>>
      %dma_wait3A_746 = arith.constant 0 : i32
      %dma_wait3A_747 = tpu.memref_slice %arg5[%dma_wait3A_737, %dma_wait3A_746] : memref<20x128xi32, #tpu.memory_space<vmem>> -> memref<1x128xi32, #tpu.memory_space<vmem>>
      %dma_wait3A_748 = tpu.memref_squeeze %dma_wait3A_747 : memref<1x128xi32, #tpu.memory_space<vmem>> -> memref<128xi32, #tpu.memory_space<vmem>>
      %dma_wait3A_749 = arith.constant 0 : i32
      %dma_wait3A_750 = arith.constant 0 : i32
      %dma_wait3A_751 = tpu.memref_slice %arg2[%dma_wait3A_749, %dma_wait3A_750] : memref<1000000x16xf32, #tpu.memory_space<hbm>> -> memref<1000000x16xf32, #tpu.memory_space<hbm>>
      tpu.wait_indirect_dma semaphore(%arg10 : memref<!tpu.dma_semaphore, #tpu.memory_space<semaphore_mem>>) src(%dma_wait3A_751 : memref<1000000x16xf32, #tpu.memory_space<hbm>>) dst(%dma_wait3A_745 : memref<128x16xf32, #tpu.memory_space<vmem>>)
      %dma_wait3A_752 = arith.constant 18 : i32
      %dma_wait3A_753 = arith.constant 1 : i32
      %dma_wait3A_754 = arith.constant 0 : i32
      %dma_wait3A_755 = arith.constant 0 : i32
      %dma_wait3A_756 = tpu.memref_slice %arg6[%dma_wait3A_753, %dma_wait3A_754, %dma_wait3A_755] : memref<2x1280x16xf32, #tpu.memory_space<vmem>> -> memref<1x1280x16xf32, #tpu.memory_space<vmem>>
      %dma_wait3A_757 = tpu.memref_squeeze %dma_wait3A_756 : memref<1x1280x16xf32, #tpu.memory_space<vmem>> -> memref<1280x16xf32, #tpu.memory_space<vmem>>
      %dma_wait3A_758 = arith.constant 1024 : i32
      %dma_wait3A_759 = arith.constant 0 : i32
      %dma_wait3A_760 = tpu.memref_slice %dma_wait3A_757[%dma_wait3A_758, %dma_wait3A_759] : memref<1280x16xf32, #tpu.memory_space<vmem>> -> memref<128x16xf32, #tpu.memory_space<vmem>>
      %dma_wait3A_761 = arith.constant 0 : i32
      %dma_wait3A_762 = tpu.memref_slice %arg5[%dma_wait3A_752, %dma_wait3A_761] : memref<20x128xi32, #tpu.memory_space<vmem>> -> memref<1x128xi32, #tpu.memory_space<vmem>>
      %dma_wait3A_763 = tpu.memref_squeeze %dma_wait3A_762 : memref<1x128xi32, #tpu.memory_space<vmem>> -> memref<128xi32, #tpu.memory_space<vmem>>
      %dma_wait3A_764 = arith.constant 0 : i32
      %dma_wait3A_765 = arith.constant 0 : i32
      %dma_wait3A_766 = tpu.memref_slice %arg2[%dma_wait3A_764, %dma_wait3A_765] : memref<1000000x16xf32, #tpu.memory_space<hbm>> -> memref<1000000x16xf32, #tpu.memory_space<hbm>>
      tpu.wait_indirect_dma semaphore(%arg10 : memref<!tpu.dma_semaphore, #tpu.memory_space<semaphore_mem>>) src(%dma_wait3A_766 : memref<1000000x16xf32, #tpu.memory_space<hbm>>) dst(%dma_wait3A_760 : memref<128x16xf32, #tpu.memory_space<vmem>>)
      %dma_wait3A_767 = arith.constant 19 : i32
      %dma_wait3A_768 = arith.constant 1 : i32
      %dma_wait3A_769 = arith.constant 0 : i32
      %dma_wait3A_770 = arith.constant 0 : i32
      %dma_wait3A_771 = tpu.memref_slice %arg6[%dma_wait3A_768, %dma_wait3A_769, %dma_wait3A_770] : memref<2x1280x16xf32, #tpu.memory_space<vmem>> -> memref<1x1280x16xf32, #tpu.memory_space<vmem>>
      %dma_wait3A_772 = tpu.memref_squeeze %dma_wait3A_771 : memref<1x1280x16xf32, #tpu.memory_space<vmem>> -> memref<1280x16xf32, #tpu.memory_space<vmem>>
      %dma_wait3A_773 = arith.constant 1152 : i32
      %dma_wait3A_774 = arith.constant 0 : i32
      %dma_wait3A_775 = tpu.memref_slice %dma_wait3A_772[%dma_wait3A_773, %dma_wait3A_774] : memref<1280x16xf32, #tpu.memory_space<vmem>> -> memref<128x16xf32, #tpu.memory_space<vmem>>
      %dma_wait3A_776 = arith.constant 0 : i32
      %dma_wait3A_777 = tpu.memref_slice %arg5[%dma_wait3A_767, %dma_wait3A_776] : memref<20x128xi32, #tpu.memory_space<vmem>> -> memref<1x128xi32, #tpu.memory_space<vmem>>
      %dma_wait3A_778 = tpu.memref_squeeze %dma_wait3A_777 : memref<1x128xi32, #tpu.memory_space<vmem>> -> memref<128xi32, #tpu.memory_space<vmem>>
      %dma_wait3A_779 = arith.constant 0 : i32
      %dma_wait3A_780 = arith.constant 0 : i32
      %dma_wait3A_781 = tpu.memref_slice %arg2[%dma_wait3A_779, %dma_wait3A_780] : memref<1000000x16xf32, #tpu.memory_space<hbm>> -> memref<1000000x16xf32, #tpu.memory_space<hbm>>
      tpu.wait_indirect_dma semaphore(%arg10 : memref<!tpu.dma_semaphore, #tpu.memory_space<semaphore_mem>>) src(%dma_wait3A_781 : memref<1000000x16xf32, #tpu.memory_space<hbm>>) dst(%dma_wait3A_775 : memref<128x16xf32, #tpu.memory_space<vmem>>)
      %mul3A_782 = arith.constant 1280 : i32
      %mul3A_783 = arith.muli %add3A_432, %mul3A_782 : i32
      %add3A_784 = arith.addi %mul3A_2, %mul3A_783 : i32
      %dma_start3A_785 = arith.constant 1 : i32
      %dma_start3A_786 = arith.constant 0 : i32
      %dma_start3A_787 = arith.constant 0 : i32
      %dma_start3A_788 = tpu.memref_slice %arg6[%dma_start3A_785, %dma_start3A_786, %dma_start3A_787] : memref<2x1280x16xf32, #tpu.memory_space<vmem>> -> memref<1x1280x16xf32, #tpu.memory_space<vmem>>
      %dma_start3A_789 = tpu.memref_squeeze %dma_start3A_788 : memref<1x1280x16xf32, #tpu.memory_space<vmem>> -> memref<1280x16xf32, #tpu.memory_space<vmem>>
      %dma_start3A_790 = arith.constant 0 : i32
      %dma_start3A_791 = tpu.memref_slice %arg4[%add3A_784, %dma_start3A_790] : memref<819200x16xf32, #tpu.memory_space<hbm>> -> memref<1280x16xf32, #tpu.memory_space<hbm>>
      %dma_start3A_792 = arith.constant 0 : i32
      %dma_start3A_793 = tpu.memref_slice %arg4[%add3A_784, %dma_start3A_792] : memref<819200x16xf32, #tpu.memory_space<hbm>> -> memref<1280x16xf32, #tpu.memory_space<hbm>>
      %dma_start3A_794 = arith.constant 0 : i32
      %dma_start3A_795 = arith.constant 0 : i32
      %dma_start3A_796 = tpu.memref_slice %arg6[%dma_start3A_785, %dma_start3A_794, %dma_start3A_795] : memref<2x1280x16xf32, #tpu.memory_space<vmem>> -> memref<1x1280x16xf32, #tpu.memory_space<vmem>>
      %dma_start3A_797 = tpu.memref_squeeze %dma_start3A_796 : memref<1x1280x16xf32, #tpu.memory_space<vmem>> -> memref<1280x16xf32, #tpu.memory_space<vmem>>
      tpu.enqueue_dma source(%dma_start3A_797 : memref<1280x16xf32, #tpu.memory_space<vmem>>) target(%dma_start3A_793 : memref<1280x16xf32, #tpu.memory_space<hbm>>) target_semaphore(%arg12 : memref<!tpu.dma_semaphore, #tpu.memory_space<semaphore_mem>>)
    }
    %scan3A_33 = arith.constant 10 : i32
    %add3A_34 = arith.constant 23040 : i32
    %add3A_35 = arith.addi %mul3A_2, %add3A_34 : i32
    %dma_wait3A = arith.constant 0 : i32
    %dma_wait3A_36 = arith.constant 0 : i32
    %dma_wait3A_37 = arith.constant 0 : i32
    %dma_wait3A_38 = tpu.memref_slice %arg6[%dma_wait3A, %dma_wait3A_36, %dma_wait3A_37] : memref<2x1280x16xf32, #tpu.memory_space<vmem>> -> memref<1x1280x16xf32, #tpu.memory_space<vmem>>
    %dma_wait3A_39 = tpu.memref_squeeze %dma_wait3A_38 : memref<1x1280x16xf32, #tpu.memory_space<vmem>> -> memref<1280x16xf32, #tpu.memory_space<vmem>>
    %dma_wait3A_40 = arith.constant 0 : i32
    %dma_wait3A_41 = tpu.memref_slice %arg4[%add3A_35, %dma_wait3A_40] : memref<819200x16xf32, #tpu.memory_space<hbm>> -> memref<1280x16xf32, #tpu.memory_space<hbm>>
    %dma_wait3A_42 = arith.constant 0 : i32
    %dma_wait3A_43 = tpu.memref_slice %arg4[%add3A_35, %dma_wait3A_42] : memref<819200x16xf32, #tpu.memory_space<hbm>> -> memref<1280x16xf32, #tpu.memory_space<hbm>>
    %dma_wait3A_44 = arith.constant 0 : i32
    %dma_wait3A_45 = arith.constant 0 : i32
    %dma_wait3A_46 = tpu.memref_slice %arg6[%dma_wait3A, %dma_wait3A_44, %dma_wait3A_45] : memref<2x1280x16xf32, #tpu.memory_space<vmem>> -> memref<1x1280x16xf32, #tpu.memory_space<vmem>>
    %dma_wait3A_47 = tpu.memref_squeeze %dma_wait3A_46 : memref<1x1280x16xf32, #tpu.memory_space<vmem>> -> memref<1280x16xf32, #tpu.memory_space<vmem>>
    tpu.wait_dma2 semaphore(%arg11 : memref<!tpu.dma_semaphore, #tpu.memory_space<semaphore_mem>>) src(%dma_wait3A_47 : memref<1280x16xf32, #tpu.memory_space<vmem>>) dst(%dma_wait3A_43 : memref<1280x16xf32, #tpu.memory_space<hbm>>)
    %add3A_48 = arith.constant 24320 : i32
    %add3A_49 = arith.addi %mul3A_2, %add3A_48 : i32
    %dma_wait3A_50 = arith.constant 1 : i32
    %dma_wait3A_51 = arith.constant 0 : i32
    %dma_wait3A_52 = arith.constant 0 : i32
    %dma_wait3A_53 = tpu.memref_slice %arg6[%dma_wait3A_50, %dma_wait3A_51, %dma_wait3A_52] : memref<2x1280x16xf32, #tpu.memory_space<vmem>> -> memref<1x1280x16xf32, #tpu.memory_space<vmem>>
    %dma_wait3A_54 = tpu.memref_squeeze %dma_wait3A_53 : memref<1x1280x16xf32, #tpu.memory_space<vmem>> -> memref<1280x16xf32, #tpu.memory_space<vmem>>
    %dma_wait3A_55 = arith.constant 0 : i32
    %dma_wait3A_56 = tpu.memref_slice %arg4[%add3A_49, %dma_wait3A_55] : memref<819200x16xf32, #tpu.memory_space<hbm>> -> memref<1280x16xf32, #tpu.memory_space<hbm>>
    %dma_wait3A_57 = arith.constant 0 : i32
    %dma_wait3A_58 = tpu.memref_slice %arg4[%add3A_49, %dma_wait3A_57] : memref<819200x16xf32, #tpu.memory_space<hbm>> -> memref<1280x16xf32, #tpu.memory_space<hbm>>
    %dma_wait3A_59 = arith.constant 0 : i32
    %dma_wait3A_60 = arith.constant 0 : i32
    %dma_wait3A_61 = tpu.memref_slice %arg6[%dma_wait3A_50, %dma_wait3A_59, %dma_wait3A_60] : memref<2x1280x16xf32, #tpu.memory_space<vmem>> -> memref<1x1280x16xf32, #tpu.memory_space<vmem>>
    %dma_wait3A_62 = tpu.memref_squeeze %dma_wait3A_61 : memref<1x1280x16xf32, #tpu.memory_space<vmem>> -> memref<1280x16xf32, #tpu.memory_space<vmem>>
    tpu.wait_dma2 semaphore(%arg12 : memref<!tpu.dma_semaphore, #tpu.memory_space<semaphore_mem>>) src(%dma_wait3A_62 : memref<1280x16xf32, #tpu.memory_space<vmem>>) dst(%dma_wait3A_58 : memref<1280x16xf32, #tpu.memory_space<hbm>>)
    return
  }
}

module attributes {stable_mosaic.version = 14 : i64} {
  func.func @body(%arg0: i32, %arg1: memref<1x8x16384xf32, #tpu.memory_space<vmem>>, %arg2: memref<8x16384xi32, #tpu.memory_space<vmem>>) attributes {dimension_semantics = [#tpu.dimension_semantics<arbitrary>], iteration_bounds = array<i64: 7>, scalar_prefetch = 0 : i64, scratch_operands = 0 : i64, tpu.core_type = #tpu.core_type<tc>, window_params = [{transform_indices = @transform_0, window_bounds = array<i64: 1, 8, 16384>}, {transform_indices = @transform_1, window_bounds = array<i64: 8, 16384>}]} {
    %get3A = arith.constant 0 : index
    %get3A_0 = arith.constant 0 : index
    %get3A_1 = arith.constant 0 : index
    %get3A_2 = vector.load %arg1[%get3A, %get3A_0, %get3A_1] : memref<1x8x16384xf32, #tpu.memory_space<vmem>>, vector<1x8x16384xf32>
    %get3A_3 = vector.shape_cast %get3A_2 : vector<1x8x16384xf32> to vector<8x16384xf32>
    %convert_element_type3A = arith.fptosi %get3A_3 : vector<8x16384xf32> to vector<8x16384xi32>
    %swap3A = arith.constant 0 : index
    %swap3A_4 = arith.constant 0 : index
    %swap3A_5 = vector.load %arg2[%swap3A, %swap3A_4] : memref<8x16384xi32, #tpu.memory_space<vmem>>, vector<8x16384xi32>
    tpu.vector_store %arg2[%swap3A, %swap3A_4], %convert_element_type3A {strides = array<i32>} : memref<8x16384xi32, #tpu.memory_space<vmem>>, vector<8x16384xi32>,
    return
  }
  func.func @transform_0(%arg0: i32) -> (i32, i32, i32) {
    %c16_i32 = arith.constant 16 : i32
    %c0_i32 = arith.constant 0 : i32
    %c0_i32_0 = arith.constant 0 : i32
    return %c16_i32, %arg0, %c0_i32 : i32, i32, i32
  }
  func.func @transform_1(%arg0: i32) -> (i32, i32) {
    %c0_i32 = arith.constant 0 : i32
    %c0_i32_0 = arith.constant 0 : i32
    return %arg0, %c0_i32 : i32, i32
  }
}

module attributes {stable_mosaic.version = 14 : i64} {
  func.func @body(%arg0: i32, %arg1: i32, %arg2: memref<16x8x2048xf32, #tpu.memory_space<vmem>>, %arg3: memref<8x16x2048xf32, #tpu.memory_space<vmem>>) attributes {dimension_semantics = [#tpu.dimension_semantics<arbitrary>, #tpu.dimension_semantics<arbitrary>], iteration_bounds = array<i64: 8, 7>, scalar_prefetch = 0 : i64, scratch_operands = 0 : i64, tpu.core_type = #tpu.core_type<tc>, window_params = [{transform_indices = @transform_0, window_bounds = array<i64: 16, 8, 2048>}, {transform_indices = @transform_1, window_bounds = array<i64: 8, 16, 2048>}]} {
    %get3A = arith.constant 0 : index
    %get3A_0 = arith.constant 0 : index
    %get3A_1 = arith.constant 0 : index
    %get3A_2 = vector.load %arg2[%get3A, %get3A_0, %get3A_1] : memref<16x8x2048xf32, #tpu.memory_space<vmem>>, vector<16x8x2048xf32>
    %slice3A = vector.extract_strided_slice %get3A_2 {offsets = [0, 0, 0], sizes = [16, 1, 2048], strides = [1, 1, 1]} : vector<16x8x2048xf32> to vector<16x1x2048xf32>
    %squeeze3A = vector.shape_cast %slice3A : vector<16x1x2048xf32> to vector<16x2048xf32>
    %swap3A = arith.constant 0 : index
    %swap3A_3 = arith.constant 0 : index
    %swap3A_4 = arith.constant 0 : index
    %swap3A_5 = vector.load %arg3[%swap3A, %swap3A_3, %swap3A_4] : memref<8x16x2048xf32, #tpu.memory_space<vmem>>, vector<1x16x2048xf32>
    %swap3A_6 = vector.shape_cast %swap3A_5 : vector<1x16x2048xf32> to vector<16x2048xf32>
    %swap3A_7 = vector.shape_cast %squeeze3A : vector<16x2048xf32> to vector<1x16x2048xf32>
    tpu.vector_store %arg3[%swap3A, %swap3A_3, %swap3A_4], %swap3A_7 {strides = array<i32>} : memref<8x16x2048xf32, #tpu.memory_space<vmem>>, vector<1x16x2048xf32>,
    %slice3A_8 = vector.extract_strided_slice %get3A_2 {offsets = [0, 1, 0], sizes = [16, 1, 2048], strides = [1, 1, 1]} : vector<16x8x2048xf32> to vector<16x1x2048xf32>
    %squeeze3A_9 = vector.shape_cast %slice3A_8 : vector<16x1x2048xf32> to vector<16x2048xf32>
    %swap3A_10 = arith.constant 1 : index
    %swap3A_11 = arith.constant 0 : index
    %swap3A_12 = arith.constant 0 : index
    %swap3A_13 = vector.load %arg3[%swap3A_10, %swap3A_11, %swap3A_12] : memref<8x16x2048xf32, #tpu.memory_space<vmem>>, vector<1x16x2048xf32>
    %swap3A_14 = vector.shape_cast %swap3A_13 : vector<1x16x2048xf32> to vector<16x2048xf32>
    %swap3A_15 = vector.shape_cast %squeeze3A_9 : vector<16x2048xf32> to vector<1x16x2048xf32>
    tpu.vector_store %arg3[%swap3A_10, %swap3A_11, %swap3A_12], %swap3A_15 {strides = array<i32>} : memref<8x16x2048xf32, #tpu.memory_space<vmem>>, vector<1x16x2048xf32>,
    %slice3A_16 = vector.extract_strided_slice %get3A_2 {offsets = [0, 2, 0], sizes = [16, 1, 2048], strides = [1, 1, 1]} : vector<16x8x2048xf32> to vector<16x1x2048xf32>
    %squeeze3A_17 = vector.shape_cast %slice3A_16 : vector<16x1x2048xf32> to vector<16x2048xf32>
    %swap3A_18 = arith.constant 2 : index
    %swap3A_19 = arith.constant 0 : index
    %swap3A_20 = arith.constant 0 : index
    %swap3A_21 = vector.load %arg3[%swap3A_18, %swap3A_19, %swap3A_20] : memref<8x16x2048xf32, #tpu.memory_space<vmem>>, vector<1x16x2048xf32>
    %swap3A_22 = vector.shape_cast %swap3A_21 : vector<1x16x2048xf32> to vector<16x2048xf32>
    %swap3A_23 = vector.shape_cast %squeeze3A_17 : vector<16x2048xf32> to vector<1x16x2048xf32>
    tpu.vector_store %arg3[%swap3A_18, %swap3A_19, %swap3A_20], %swap3A_23 {strides = array<i32>} : memref<8x16x2048xf32, #tpu.memory_space<vmem>>, vector<1x16x2048xf32>,
    %slice3A_24 = vector.extract_strided_slice %get3A_2 {offsets = [0, 3, 0], sizes = [16, 1, 2048], strides = [1, 1, 1]} : vector<16x8x2048xf32> to vector<16x1x2048xf32>
    %squeeze3A_25 = vector.shape_cast %slice3A_24 : vector<16x1x2048xf32> to vector<16x2048xf32>
    %swap3A_26 = arith.constant 3 : index
    %swap3A_27 = arith.constant 0 : index
    %swap3A_28 = arith.constant 0 : index
    %swap3A_29 = vector.load %arg3[%swap3A_26, %swap3A_27, %swap3A_28] : memref<8x16x2048xf32, #tpu.memory_space<vmem>>, vector<1x16x2048xf32>
    %swap3A_30 = vector.shape_cast %swap3A_29 : vector<1x16x2048xf32> to vector<16x2048xf32>
    %swap3A_31 = vector.shape_cast %squeeze3A_25 : vector<16x2048xf32> to vector<1x16x2048xf32>
    tpu.vector_store %arg3[%swap3A_26, %swap3A_27, %swap3A_28], %swap3A_31 {strides = array<i32>} : memref<8x16x2048xf32, #tpu.memory_space<vmem>>, vector<1x16x2048xf32>,
    %slice3A_32 = vector.extract_strided_slice %get3A_2 {offsets = [0, 4, 0], sizes = [16, 1, 2048], strides = [1, 1, 1]} : vector<16x8x2048xf32> to vector<16x1x2048xf32>
    %squeeze3A_33 = vector.shape_cast %slice3A_32 : vector<16x1x2048xf32> to vector<16x2048xf32>
    %swap3A_34 = arith.constant 4 : index
    %swap3A_35 = arith.constant 0 : index
    %swap3A_36 = arith.constant 0 : index
    %swap3A_37 = vector.load %arg3[%swap3A_34, %swap3A_35, %swap3A_36] : memref<8x16x2048xf32, #tpu.memory_space<vmem>>, vector<1x16x2048xf32>
    %swap3A_38 = vector.shape_cast %swap3A_37 : vector<1x16x2048xf32> to vector<16x2048xf32>
    %swap3A_39 = vector.shape_cast %squeeze3A_33 : vector<16x2048xf32> to vector<1x16x2048xf32>
    tpu.vector_store %arg3[%swap3A_34, %swap3A_35, %swap3A_36], %swap3A_39 {strides = array<i32>} : memref<8x16x2048xf32, #tpu.memory_space<vmem>>, vector<1x16x2048xf32>,
    %slice3A_40 = vector.extract_strided_slice %get3A_2 {offsets = [0, 5, 0], sizes = [16, 1, 2048], strides = [1, 1, 1]} : vector<16x8x2048xf32> to vector<16x1x2048xf32>
    %squeeze3A_41 = vector.shape_cast %slice3A_40 : vector<16x1x2048xf32> to vector<16x2048xf32>
    %swap3A_42 = arith.constant 5 : index
    %swap3A_43 = arith.constant 0 : index
    %swap3A_44 = arith.constant 0 : index
    %swap3A_45 = vector.load %arg3[%swap3A_42, %swap3A_43, %swap3A_44] : memref<8x16x2048xf32, #tpu.memory_space<vmem>>, vector<1x16x2048xf32>
    %swap3A_46 = vector.shape_cast %swap3A_45 : vector<1x16x2048xf32> to vector<16x2048xf32>
    %swap3A_47 = vector.shape_cast %squeeze3A_41 : vector<16x2048xf32> to vector<1x16x2048xf32>
    tpu.vector_store %arg3[%swap3A_42, %swap3A_43, %swap3A_44], %swap3A_47 {strides = array<i32>} : memref<8x16x2048xf32, #tpu.memory_space<vmem>>, vector<1x16x2048xf32>,
    %slice3A_48 = vector.extract_strided_slice %get3A_2 {offsets = [0, 6, 0], sizes = [16, 1, 2048], strides = [1, 1, 1]} : vector<16x8x2048xf32> to vector<16x1x2048xf32>
    %squeeze3A_49 = vector.shape_cast %slice3A_48 : vector<16x1x2048xf32> to vector<16x2048xf32>
    %swap3A_50 = arith.constant 6 : index
    %swap3A_51 = arith.constant 0 : index
    %swap3A_52 = arith.constant 0 : index
    %swap3A_53 = vector.load %arg3[%swap3A_50, %swap3A_51, %swap3A_52] : memref<8x16x2048xf32, #tpu.memory_space<vmem>>, vector<1x16x2048xf32>
    %swap3A_54 = vector.shape_cast %swap3A_53 : vector<1x16x2048xf32> to vector<16x2048xf32>
    %swap3A_55 = vector.shape_cast %squeeze3A_49 : vector<16x2048xf32> to vector<1x16x2048xf32>
    tpu.vector_store %arg3[%swap3A_50, %swap3A_51, %swap3A_52], %swap3A_55 {strides = array<i32>} : memref<8x16x2048xf32, #tpu.memory_space<vmem>>, vector<1x16x2048xf32>,
    %slice3A_56 = vector.extract_strided_slice %get3A_2 {offsets = [0, 7, 0], sizes = [16, 1, 2048], strides = [1, 1, 1]} : vector<16x8x2048xf32> to vector<16x1x2048xf32>
    %squeeze3A_57 = vector.shape_cast %slice3A_56 : vector<16x1x2048xf32> to vector<16x2048xf32>
    %swap3A_58 = arith.constant 7 : index
    %swap3A_59 = arith.constant 0 : index
    %swap3A_60 = arith.constant 0 : index
    %swap3A_61 = vector.load %arg3[%swap3A_58, %swap3A_59, %swap3A_60] : memref<8x16x2048xf32, #tpu.memory_space<vmem>>, vector<1x16x2048xf32>
    %swap3A_62 = vector.shape_cast %swap3A_61 : vector<1x16x2048xf32> to vector<16x2048xf32>
    %swap3A_63 = vector.shape_cast %squeeze3A_57 : vector<16x2048xf32> to vector<1x16x2048xf32>
    tpu.vector_store %arg3[%swap3A_58, %swap3A_59, %swap3A_60], %swap3A_63 {strides = array<i32>} : memref<8x16x2048xf32, #tpu.memory_space<vmem>>, vector<1x16x2048xf32>,
    return
  }
  func.func @transform_0(%arg0: i32, %arg1: i32) -> (i32, i32, i32) {
    %c0_i32 = arith.constant 0 : i32
    %c0_i32_0 = arith.constant 0 : i32
    return %c0_i32, %arg1, %arg0 : i32, i32, i32
  }
  func.func @transform_1(%arg0: i32, %arg1: i32) -> (i32, i32, i32) {
    %c0_i32 = arith.constant 0 : i32
    %c0_i32_0 = arith.constant 0 : i32
    return %arg1, %c0_i32, %arg0 : i32, i32, i32
  }
}

module attributes {stable_mosaic.version = 14 : i64} {
  func.func @body(%arg0: i32, %arg1: i32, %arg2: memref<8x1x2048x16xf32, #tpu.memory_space<vmem>>, %arg3: memref<50x32x16384xf32, #tpu.memory_space<hbm>>, %arg4: memref<8x16x2048xf32, #tpu.memory_space<vmem>>) attributes {dimension_semantics = [#tpu.dimension_semantics<arbitrary>, #tpu.dimension_semantics<arbitrary>], iteration_bounds = array<i64: 8, 7>, scalar_prefetch = 0 : i64, scratch_operands = 0 : i64, tpu.core_type = #tpu.core_type<tc>, window_params = [{transform_indices = @transform_0, window_bounds = array<i64: 8, 1, 2048, 16>}, {}, {transform_indices = @transform_2, window_bounds = array<i64: 8, 16, 2048>}]} {
    %get3A = arith.constant 0 : index
    %get3A_0 = arith.constant 0 : index
    %get3A_1 = arith.constant 0 : index
    %get3A_2 = arith.constant 0 : index
    %get3A_3 = vector.load %arg2[%get3A, %get3A_0, %get3A_1, %get3A_2] : memref<8x1x2048x16xf32, #tpu.memory_space<vmem>>, vector<1x1x2048x16xf32>
    %get3A_4 = vector.shape_cast %get3A_3 : vector<1x1x2048x16xf32> to vector<2048x16xf32>
    %transpose3A = tpu.transpose %get3A_4, [1, 0] : vector<2048x16xf32> -> vector<16x2048xf32>
    %swap3A = arith.constant 0 : index
    %swap3A_5 = arith.constant 0 : index
    %swap3A_6 = arith.constant 0 : index
    %swap3A_7 = vector.load %arg4[%swap3A, %swap3A_5, %swap3A_6] : memref<8x16x2048xf32, #tpu.memory_space<vmem>>, vector<1x16x2048xf32>
    %swap3A_8 = vector.shape_cast %swap3A_7 : vector<1x16x2048xf32> to vector<16x2048xf32>
    %swap3A_9 = vector.shape_cast %transpose3A : vector<16x2048xf32> to vector<1x16x2048xf32>
    tpu.vector_store %arg4[%swap3A, %swap3A_5, %swap3A_6], %swap3A_9 {strides = array<i32>} : memref<8x16x2048xf32, #tpu.memory_space<vmem>>, vector<1x16x2048xf32>,
    %get3A_10 = arith.constant 1 : index
    %get3A_11 = arith.constant 0 : index
    %get3A_12 = arith.constant 0 : index
    %get3A_13 = arith.constant 0 : index
    %get3A_14 = vector.load %arg2[%get3A_10, %get3A_11, %get3A_12, %get3A_13] : memref<8x1x2048x16xf32, #tpu.memory_space<vmem>>, vector<1x1x2048x16xf32>
    %get3A_15 = vector.shape_cast %get3A_14 : vector<1x1x2048x16xf32> to vector<2048x16xf32>
    %transpose3A_16 = tpu.transpose %get3A_15, [1, 0] : vector<2048x16xf32> -> vector<16x2048xf32>
    %swap3A_17 = arith.constant 1 : index
    %swap3A_18 = arith.constant 0 : index
    %swap3A_19 = arith.constant 0 : index
    %swap3A_20 = vector.load %arg4[%swap3A_17, %swap3A_18, %swap3A_19] : memref<8x16x2048xf32, #tpu.memory_space<vmem>>, vector<1x16x2048xf32>
    %swap3A_21 = vector.shape_cast %swap3A_20 : vector<1x16x2048xf32> to vector<16x2048xf32>
    %swap3A_22 = vector.shape_cast %transpose3A_16 : vector<16x2048xf32> to vector<1x16x2048xf32>
    tpu.vector_store %arg4[%swap3A_17, %swap3A_18, %swap3A_19], %swap3A_22 {strides = array<i32>} : memref<8x16x2048xf32, #tpu.memory_space<vmem>>, vector<1x16x2048xf32>,
    %get3A_23 = arith.constant 2 : index
    %get3A_24 = arith.constant 0 : index
    %get3A_25 = arith.constant 0 : index
    %get3A_26 = arith.constant 0 : index
    %get3A_27 = vector.load %arg2[%get3A_23, %get3A_24, %get3A_25, %get3A_26] : memref<8x1x2048x16xf32, #tpu.memory_space<vmem>>, vector<1x1x2048x16xf32>
    %get3A_28 = vector.shape_cast %get3A_27 : vector<1x1x2048x16xf32> to vector<2048x16xf32>
    %transpose3A_29 = tpu.transpose %get3A_28, [1, 0] : vector<2048x16xf32> -> vector<16x2048xf32>
    %swap3A_30 = arith.constant 2 : index
    %swap3A_31 = arith.constant 0 : index
    %swap3A_32 = arith.constant 0 : index
    %swap3A_33 = vector.load %arg4[%swap3A_30, %swap3A_31, %swap3A_32] : memref<8x16x2048xf32, #tpu.memory_space<vmem>>, vector<1x16x2048xf32>
    %swap3A_34 = vector.shape_cast %swap3A_33 : vector<1x16x2048xf32> to vector<16x2048xf32>
    %swap3A_35 = vector.shape_cast %transpose3A_29 : vector<16x2048xf32> to vector<1x16x2048xf32>
    tpu.vector_store %arg4[%swap3A_30, %swap3A_31, %swap3A_32], %swap3A_35 {strides = array<i32>} : memref<8x16x2048xf32, #tpu.memory_space<vmem>>, vector<1x16x2048xf32>,
    %get3A_36 = arith.constant 3 : index
    %get3A_37 = arith.constant 0 : index
    %get3A_38 = arith.constant 0 : index
    %get3A_39 = arith.constant 0 : index
    %get3A_40 = vector.load %arg2[%get3A_36, %get3A_37, %get3A_38, %get3A_39] : memref<8x1x2048x16xf32, #tpu.memory_space<vmem>>, vector<1x1x2048x16xf32>
    %get3A_41 = vector.shape_cast %get3A_40 : vector<1x1x2048x16xf32> to vector<2048x16xf32>
    %transpose3A_42 = tpu.transpose %get3A_41, [1, 0] : vector<2048x16xf32> -> vector<16x2048xf32>
    %swap3A_43 = arith.constant 3 : index
    %swap3A_44 = arith.constant 0 : index
    %swap3A_45 = arith.constant 0 : index
    %swap3A_46 = vector.load %arg4[%swap3A_43, %swap3A_44, %swap3A_45] : memref<8x16x2048xf32, #tpu.memory_space<vmem>>, vector<1x16x2048xf32>
    %swap3A_47 = vector.shape_cast %swap3A_46 : vector<1x16x2048xf32> to vector<16x2048xf32>
    %swap3A_48 = vector.shape_cast %transpose3A_42 : vector<16x2048xf32> to vector<1x16x2048xf32>
    tpu.vector_store %arg4[%swap3A_43, %swap3A_44, %swap3A_45], %swap3A_48 {strides = array<i32>} : memref<8x16x2048xf32, #tpu.memory_space<vmem>>, vector<1x16x2048xf32>,
    %get3A_49 = arith.constant 4 : index
    %get3A_50 = arith.constant 0 : index
    %get3A_51 = arith.constant 0 : index
    %get3A_52 = arith.constant 0 : index
    %get3A_53 = vector.load %arg2[%get3A_49, %get3A_50, %get3A_51, %get3A_52] : memref<8x1x2048x16xf32, #tpu.memory_space<vmem>>, vector<1x1x2048x16xf32>
    %get3A_54 = vector.shape_cast %get3A_53 : vector<1x1x2048x16xf32> to vector<2048x16xf32>
    %transpose3A_55 = tpu.transpose %get3A_54, [1, 0] : vector<2048x16xf32> -> vector<16x2048xf32>
    %swap3A_56 = arith.constant 4 : index
    %swap3A_57 = arith.constant 0 : index
    %swap3A_58 = arith.constant 0 : index
    %swap3A_59 = vector.load %arg4[%swap3A_56, %swap3A_57, %swap3A_58] : memref<8x16x2048xf32, #tpu.memory_space<vmem>>, vector<1x16x2048xf32>
    %swap3A_60 = vector.shape_cast %swap3A_59 : vector<1x16x2048xf32> to vector<16x2048xf32>
    %swap3A_61 = vector.shape_cast %transpose3A_55 : vector<16x2048xf32> to vector<1x16x2048xf32>
    tpu.vector_store %arg4[%swap3A_56, %swap3A_57, %swap3A_58], %swap3A_61 {strides = array<i32>} : memref<8x16x2048xf32, #tpu.memory_space<vmem>>, vector<1x16x2048xf32>,
    %get3A_62 = arith.constant 5 : index
    %get3A_63 = arith.constant 0 : index
    %get3A_64 = arith.constant 0 : index
    %get3A_65 = arith.constant 0 : index
    %get3A_66 = vector.load %arg2[%get3A_62, %get3A_63, %get3A_64, %get3A_65] : memref<8x1x2048x16xf32, #tpu.memory_space<vmem>>, vector<1x1x2048x16xf32>
    %get3A_67 = vector.shape_cast %get3A_66 : vector<1x1x2048x16xf32> to vector<2048x16xf32>
    %transpose3A_68 = tpu.transpose %get3A_67, [1, 0] : vector<2048x16xf32> -> vector<16x2048xf32>
    %swap3A_69 = arith.constant 5 : index
    %swap3A_70 = arith.constant 0 : index
    %swap3A_71 = arith.constant 0 : index
    %swap3A_72 = vector.load %arg4[%swap3A_69, %swap3A_70, %swap3A_71] : memref<8x16x2048xf32, #tpu.memory_space<vmem>>, vector<1x16x2048xf32>
    %swap3A_73 = vector.shape_cast %swap3A_72 : vector<1x16x2048xf32> to vector<16x2048xf32>
    %swap3A_74 = vector.shape_cast %transpose3A_68 : vector<16x2048xf32> to vector<1x16x2048xf32>
    tpu.vector_store %arg4[%swap3A_69, %swap3A_70, %swap3A_71], %swap3A_74 {strides = array<i32>} : memref<8x16x2048xf32, #tpu.memory_space<vmem>>, vector<1x16x2048xf32>,
    %get3A_75 = arith.constant 6 : index
    %get3A_76 = arith.constant 0 : index
    %get3A_77 = arith.constant 0 : index
    %get3A_78 = arith.constant 0 : index
    %get3A_79 = vector.load %arg2[%get3A_75, %get3A_76, %get3A_77, %get3A_78] : memref<8x1x2048x16xf32, #tpu.memory_space<vmem>>, vector<1x1x2048x16xf32>
    %get3A_80 = vector.shape_cast %get3A_79 : vector<1x1x2048x16xf32> to vector<2048x16xf32>
    %transpose3A_81 = tpu.transpose %get3A_80, [1, 0] : vector<2048x16xf32> -> vector<16x2048xf32>
    %swap3A_82 = arith.constant 6 : index
    %swap3A_83 = arith.constant 0 : index
    %swap3A_84 = arith.constant 0 : index
    %swap3A_85 = vector.load %arg4[%swap3A_82, %swap3A_83, %swap3A_84] : memref<8x16x2048xf32, #tpu.memory_space<vmem>>, vector<1x16x2048xf32>
    %swap3A_86 = vector.shape_cast %swap3A_85 : vector<1x16x2048xf32> to vector<16x2048xf32>
    %swap3A_87 = vector.shape_cast %transpose3A_81 : vector<16x2048xf32> to vector<1x16x2048xf32>
    tpu.vector_store %arg4[%swap3A_82, %swap3A_83, %swap3A_84], %swap3A_87 {strides = array<i32>} : memref<8x16x2048xf32, #tpu.memory_space<vmem>>, vector<1x16x2048xf32>,
    %get3A_88 = arith.constant 7 : index
    %get3A_89 = arith.constant 0 : index
    %get3A_90 = arith.constant 0 : index
    %get3A_91 = arith.constant 0 : index
    %get3A_92 = vector.load %arg2[%get3A_88, %get3A_89, %get3A_90, %get3A_91] : memref<8x1x2048x16xf32, #tpu.memory_space<vmem>>, vector<1x1x2048x16xf32>
    %get3A_93 = vector.shape_cast %get3A_92 : vector<1x1x2048x16xf32> to vector<2048x16xf32>
    %transpose3A_94 = tpu.transpose %get3A_93, [1, 0] : vector<2048x16xf32> -> vector<16x2048xf32>
    %swap3A_95 = arith.constant 7 : index
    %swap3A_96 = arith.constant 0 : index
    %swap3A_97 = arith.constant 0 : index
    %swap3A_98 = vector.load %arg4[%swap3A_95, %swap3A_96, %swap3A_97] : memref<8x16x2048xf32, #tpu.memory_space<vmem>>, vector<1x16x2048xf32>
    %swap3A_99 = vector.shape_cast %swap3A_98 : vector<1x16x2048xf32> to vector<16x2048xf32>
    %swap3A_100 = vector.shape_cast %transpose3A_94 : vector<16x2048xf32> to vector<1x16x2048xf32>
    tpu.vector_store %arg4[%swap3A_95, %swap3A_96, %swap3A_97], %swap3A_100 {strides = array<i32>} : memref<8x16x2048xf32, #tpu.memory_space<vmem>>, vector<1x16x2048xf32>,
    return
  }
  func.func @transform_0(%arg0: i32, %arg1: i32) -> (i32, i32, i32, i32) {
    %c0_i32 = arith.constant 0 : i32
    %c0_i32_0 = arith.constant 0 : i32
    %c0_i32_1 = arith.constant 0 : i32
    return %arg1, %arg0, %c0_i32, %c0_i32_0 : i32, i32, i32, i32
  }
  func.func @transform_2(%arg0: i32, %arg1: i32) -> (i32, i32, i32) {
    %c1_i32 = arith.constant 1 : i32
    %c0_i32 = arith.constant 0 : i32
    return %arg1, %c1_i32, %arg0 : i32, i32, i32
  }
}

</mosaic_0001>

<sc_bundles>
// kernel: kernel.6.cloned.1.call-start
scs
__scs_entry_jumppad:
0x0: {  	(pc) =	sbr.rel $0x88, $3  }
0x1: {  	(tag) =	ssettag $0x0;
	lr =	simm.s32 $0x1  }
0x2: {  	[smem:$0x3F9F] =	sst lr;
	_ =	strace $0xD0000000  }
0x3: {  	_ = 	snop  }
0x4: {  	_ = 	snop  }
0x5: {  	_ = 	snop  }
0x6: {  	_ = 	snop  }
0x7: {  	_ = 	snop  }
__scs_overlays_trampoline_lowered:
0x8: {  	[smem:$0x3FAE] =	sst s0  }
0x9: {  	[smem:$0x3FAF] =	sst s1  }
0xa: {  	[smem:$0x3FB0] =	sst s2  }
0xb: {  	[smem:$0x3FB1] =	sst s3  }
0xc: {  	[smem:$0x3FB2] =	sst s4  }
0xd: {  	[smem:$0x3FB3] =	sst s5  }
0xe: {  	[smem:$0x3FB4] =	sst s6  }
0xf: {  	[smem:$0x3FB5] =	sst s7  }
0x10: {  	[smem:$0x3FB6] =	sst s8  }
0x11: {  	[smem:$0x3FB7] =	sst s9;
	s0 =	simm.s32 @!p0 $0x0  }
0x12: {  	s1 =	sld [smem:$0x3F9D];
	s0 =	simm.s32 @p0 $0x1  }
0x13: {  	[smem:$0x3FB8] =	sst s0;
	s0 =	simm.s32 @!p1 $0x0  }
0x14: {  	s2 =	sld [smem:$0x3F9C];
	s0 =	simm.s32 @p1 $0x1  }
0x15: {  	[smem:$0x3FB9] =	sst s0;
	s0 =	simm.s32 @!p2 $0x0  }
0x16: {  	s3 =	sld [smem:$0x3FDB];
	s0 =	simm.s32 @p2 $0x1  }
0x17: {  	s4 =	simm.s32 $0x1BF5;
	[smem:$0x3FBB] =	sst s0  }
0x18: {  	s0 =	sld [smem:$0x3F9E];
	_ =	swait.ge [sflag:s4], $0x0  }
0x19: {  	s7 =	sld [smem:$0x3F9F]  }
0x1a: {  	s8 =	sadd.s32 $0xFFFFE003, lr  }
0x1b: {  	s9 =	sadd.s32 $0xFFFFFEF7, lr;
	s5 =	simm.s32 $0xFFFFFFFF;
	p2 =	slt.u32 s8, $0xFFFFF086  }
0x1c: {  	p1 =	slt.u32 s9, $0xF7A;
	s5 =	simm.s32 @!p2 $0x0  }
0x1d: {  	s5 =	simm.s32 @p1 $0x1;
	p0 =	seq.s32 s7, s2  }
0x1e: {  	s7 =	smul.u32 @!p0 $0xF7A, s2;
	p2 =	seq.s32 @!p0 s5, $0x0  }
0x1f: {  	s9 =	smul.u32 $0xF7A, s1;
	s8 =	simm.s32 @!p0 $0x1BF5;
	p2 =	por !p2, p0  }
0x20: {  	[sflag:s8] =	ssyncset.s32 @!p0 $0xFFFFF086;
	s6 =	sadd.s32 @!p0 s3, s7;
	s7 =	simm.s32 @!p0 $0x108  }
0x21: {  	s3 =	sadd.s32 s3, s9;
	s6 =	sadd.s32 @!p0 $0x88, s6;
	s7 =	simm.s32 @p2 $0x1082  }
0x22: {  	[simem:s7], [sflag:s8] =	dma.local @!p0 [hbm:s6], $0xF7A  }
0x23: {  	s9 =	sor.u32 $0xD0000000, s2;
	s6 =	simm.s32 $0x108;
	_ =	swait.ge @!p0 [sflag:s8], $0x0  }
0x24: {  	s3 =	sadd.s32 $0x88, s3;
	s6 =	simm.s32 @!p1 $0x1082;
	[sflag:s4] =	ssyncset.s32 $0xFFFFF086  }
0x25: {  	[simem:s6], [sflag:s4] =	dma.local [hbm:s3], $0xF7A  }
0x26: {  	[smem:$0x3F9F] =	sst s1;
	(tag) =	ssettag s2;
	_ =	strace s9  }
0x27: {  	s1 =	sld [smem:$0x3FAF]  }
0x28: {  	s2 =	sld [smem:$0x3FB0]  }
0x29: {  	s4 =	sld [smem:$0x3FB2]  }
0x2a: {  	p0 =	seq.s32 s5, $0x0;
	s5 =	sld [smem:$0x3FB3]  }
0x2b: {  	s6 =	sld [smem:$0x3FB4]  }
0x2c: {  	s7 =	sld [smem:$0x3FB5]  }
0x2d: {  	s3 =	simm.s32 $0x108;
	s8 =	sld [smem:$0x3FB6]  }
0x2e: {  	s3 =	simm.s32 @!p0 $0x1082;
	s9 =	sld [smem:$0x3FB7]  }
0x2f: {  	lr =	sadd.s32 s0, s3;
	s0 =	sld [smem:$0x3FAE]  }
0x30: {  	s3 =	sld [smem:$0x3FB1]  }
0x31: {  	[smem:$0x3FBA] =	sst s10  }
0x32: {  	s10 =	sld [smem:$0x3FB8];
	_ =	sdelay $0x3  }
0x33: {  	p0 =	seq.s32 s10, $0x1;
	s10 =	sld [smem:$0x3FBA];
	_ =	sdelay $0x3  }
0x34: {  	[smem:$0x3FBA] =	sst s10  }
0x35: {  	s10 =	sld [smem:$0x3FB9];
	_ =	sdelay $0x3  }
0x36: {  	p1 =	seq.s32 s10, $0x1;
	s10 =	sld [smem:$0x3FBA];
	_ =	sdelay $0x3  }
0x37: {  	[smem:$0x3FBA] =	sst s10  }
0x38: {  	s10 =	sld [smem:$0x3FBB]  }
0x39: {  	_ = 	snop;
	(pc) =	sbr.ind lr, $3  }
0x3a: {  	_ = 	snop  }
0x3b: {  	_ = 	snop  }
0x3c: {  	p2 =	seq.s32 s10, $0x1;
	s10 =	sld [smem:$0x3FBA]  }
0x3d: {  	_ =	shalt  }
0x3e: {  	_ =	shalt  }
0x3f: {  	_ =	shalt  }
0x40: {  	_ =	shalt  }
0x41: {  	_ =	shalt  }
0x42: {  	_ =	shalt  }
0x43: {  	_ =	shalt  }
0x44: {  	_ =	shalt  }
0x45: {  	_ =	shalt  }
0x46: {  	_ =	shalt  }
0x47: {  	_ =	shalt  }
0x48: {  	_ =	shalt  }
0x49: {  	_ =	shalt  }
0x4a: {  	_ =	shalt  }
0x4b: {  	_ =	shalt  }
0x4c: {  	_ =	shalt  }
0x4d: {  	_ =	shalt  }
0x4e: {  	_ =	shalt  }
0x4f: {  	_ =	shalt  }
0x50: {  	_ =	shalt  }
0x51: {  	_ =	shalt  }
0x52: {  	_ =	shalt  }
0x53: {  	_ =	shalt  }
0x54: {  	_ =	shalt  }
0x55: {  	_ =	shalt  }
0x56: {  	_ =	shalt  }
0x57: {  	_ =	shalt  }
0x58: {  	_ =	shalt  }
0x59: {  	_ =	shalt  }
0x5a: {  	_ =	shalt  }
0x5b: {  	_ =	shalt  }
0x5c: {  	_ =	shalt  }
0x5d: {  	_ =	shalt  }
0x5e: {  	_ =	shalt  }
0x5f: {  	_ =	shalt  }
0x60: {  	_ =	shalt  }
0x61: {  	_ =	shalt  }
0x62: {  	_ =	shalt  }
0x63: {  	_ =	shalt  }
0x64: {  	_ =	shalt  }
0x65: {  	_ =	shalt  }
0x66: {  	_ =	shalt  }
0x67: {  	_ =	shalt  }
0x68: {  	_ =	shalt  }
0x69: {  	_ =	shalt  }
0x6a: {  	_ =	shalt  }
0x6b: {  	_ =	shalt  }
0x6c: {  	_ =	shalt  }
0x6d: {  	_ =	shalt  }
0x6e: {  	_ =	shalt  }
0x6f: {  	_ =	shalt  }
0x70: {  	_ =	shalt  }
0x71: {  	_ =	shalt  }
0x72: {  	_ =	shalt  }
0x73: {  	_ =	shalt  }
0x74: {  	_ =	shalt  }
0x75: {  	_ =	shalt  }
0x76: {  	_ =	shalt  }
0x77: {  	_ =	shalt  }
0x78: {  	_ =	shalt  }
0x79: {  	_ =	shalt  }
0x7a: {  	_ =	shalt  }
0x7b: {  	_ =	shalt  }
0x7c: {  	_ =	shalt  }
0x7d: {  	_ =	shalt  }
0x7e: {  	_ =	shalt  }
0x7f: {  	_ =	shalt  }
0x80: {  	_ =	shalt  }
0x81: {  	_ =	shalt  }
0x82: {  	_ =	shalt  }
0x83: {  	_ =	shalt  }
0x84: {  	_ =	shalt  }
0x85: {  	_ =	shalt  }
0x86: {  	_ =	shalt  }
0x87: {  	_ =	shalt  }
.Lfunc_end0:
.L_simem_size_0:
called_computation_lowered:
.L_overlay_start_0:
0x88: {  	s2 =	sld [smem:$0x3FD9]  }
0x89: {  	s3 =	sld [smem:$0x3FFE];
	_ =	sdelay $0x1  }
0x8a: {  	s1 =	srdreg.scid  }
0x8b: {  	s0 =	sand.u32 $0x1, s1  }
0x8c: {  	s16 =	sshll.u32 s0, $0xA;
	s2 =	sadd.s32 s3, s2  }
0x8d: {  	s2 =	sadd.s32 s2, s16  }
0x8e: {  	[smem:$0x3FC6] =	sst s2  }
0x8f: {  	_ = 	snop  }
0x90: {  	(tm) =	ssettm $0x1  }
0x91: {  	s17 =	sld [smem:$0x3FFB];
	_ =	sdelay $0x3  }
0x92: {  	_ =	strace s17  }
0x93: {  	s2 =	sld [smem:$0x3FFC];
	_ =	sdelay $0x3  }
0x94: {  	_ =	strace s2  }
0x95: {  	s2 =	sld [smem:$0x3FFD];
	_ =	sdelay $0x3  }
0x96: {  	_ =	strace s2  }
0x97: {  	_ =	strace $0x8FFFFFFF  }
0x98: {  	s18 =	sld [smem:$0x3FDB];
	_ =	sdelay $0x1  }
0x99: {  	s19 =	simm.s32 $_scs_section_size  }
0x9a: {  	s4 =	simm.s32 $_size__tile_overlayer_lowered;
	s5 =	simm.s32 $_tile_overlayer_lowered  }
0x9b: {  	s22 =	simm.s32 $0x1BFF;
	s21 =	sshll.u32 s5, $0x1;
	s2 =	sadd.s32 s19, s18  }
0x9c: {  	s6 =	simm.s32 $0x0;
	s20 =	sshll.u32 s4, $0x1;
	s4 =	sadd.s32 s21, s2  }
0x9d: {  	[timem:s6], [sflag:s22] =	dma.local [hbm:s4], s20  }
0x9e: {  	_ =	swait.ge [sflag:s22], s20  }
0x9f: {  	s3 =	ssub.s32 $0x0, s20;
	[sflag:s22] =	ssyncset.done $0x0  }
0xa0: {  	[sflag:s22] =	ssyncadd.s32 s3;
	_ =	sdelay $0x1  }
0xa1: {  	s23 =	simm.s32 $0x1B8B  }
0xa2: {  	_ =	swait.ge [sflag:s23], $0x1  }
0xa3: {  	[sflag:s23] =	ssyncset.done $0x0  }
0xa4: {  	s25 =	simm.s32 $0x1B8E;
	s24 =	sld [smem:$0x3FFE];
	[sflag:s23] =	ssyncadd.s32 $0xFFFFFFFF  }
0xa5: {  	s26 =	simm.s32 $execute0_lowered;
	[smem:$0x3FD2] =	sst s25  }
0xa6: {  	s4 =	sshll.u32 s26, $0x1;
	_ =	strace $0x80000046;
	[dreg:$0x1] =	wrdreg $0xFFFFFFFF  }
0xa7: {  	s28 =	simm.s32 $_size_execute0_lowered;
	s2 =	sadd.s32 s2, s4;
	[dreg:$0x0] =	wrdreg $0x0  }
0xa8: {  	s4 =	sshll.u32 s28, $0x1;
	[dreg:$0x2] =	wrdreg s2  }
0xa9: {  	[dreg:$0x3] =	wrdreg s4  }
0xaa: {  	[dreg:$0x4] =	wrdreg $0xC0  }
0xab: {  	_ =	task [dreg:s6], $0x5FFFF  }
0xac: {  	[dreg:$0x1] =	wrdreg $0xFFFFFFFF  }
0xad: {  	[dreg:$0x0] =	wrdreg $0x60  }
0xae: {  	[dreg:$0x2] =	wrdreg s24  }
0xaf: {  	[dreg:$0x3] =	wrdreg $0x9  }
0xb0: {  	_ =	task.clear_ibuf [dreg:s6], $0x4FFFF;
	_ =	strace $0x90000046  }
0xb1: {  	s29 =	simm.s32 $0x9;
	_ =	strace $0x80000048  }
0xb2: {  	_ =	swait.ge [sflag:s29], $0x1  }
0xb3: {  	[sflag:s29] =	ssyncadd.s32 $0xFFFFFFFF  }
0xb4: {  	_ =	strace $0x90000048  }
0xb5: {  	_ =	sfence  }
0xb6: {  	s30 =	sld [smem:$0x0];
	_ =	sdelay $0x2  }
0xb7: {  	s31 =	sshll.u32 s1, $0xD;
	s1 =	sshrl.u32 s1, $0x2  }
0xb8: {  	s3 =	sand.u32 $0x4000, s31;
	s1 =	sadd.s32 s1, s30  }
0xb9: {  	s0 =	sor.u32 s3, s0;
	s1 =	sshll.u32 s1, $0x11  }
0xba: {  	s0 =	sor.u32 s1, s0  }
0xbb: {  	s0 =	sadd.s32 $0x8F2B, s0  }
0xbc: {  	[sflag:s0] =	ssyncadd.remote.s32 $0x1  }
0xbd: {  	_ =	sfence.sel $0xFFFF  }
0xbe: {  	[dreg:$0x0] =	wrdreg $0xFFFFFFFF;
	(pc) =	sbr.abs _section_cstart, $3  }
0xbf: {  	[dreg:$0x1] =	wrdreg $0xFFFFFFFF  }
0xc0: {  	_ =	task.clear_ibuf [dreg:s6], $0x2FFFF;
	_ =	strace $0x9FFFFFFF  }
0xc1: {  	(tm) =	ssettm $0x7FFFFFFF  }
tec
execute0_lowered:
.L_overlay_start_1:
0x0: {  	(tag) =	ssettag $0x1  }
0x1: {  	s0 =	rddreg [dreg:$0x0]  }
0x2: {  	s1 =	srdreg.scid;
	s7 =	stileid.u32;
	s2 =	simm.s32 $0x0  }
0x3: {  	s11 =	simm.s32 $0x500;
	s12 =	simm.s32 $0x1;
	s13 =	simm.s32 $0x80  }
0x4: {  	s14 =	simm.s32 $0xA00;
	s17 =	simm.s32 $0x1200;
	s19 =	simm.s32 $0x700  }
0x5: {  	s20 =	simm.s32 $0x7A00;
	s28 =	simm.s32 $0x900;
	s29 =	simm.s32 $0x9A00  }
0x6: {  	s30 =	simm.s32 $0x980;
	s31 =	simm.s32 $0xA200;
	s5 =	smul.u32 $0x19000, s7  }
0x7: {  	s1 =	sand.u32 $0x1, s1;
	s3 =	sshll.u32 s7, $0x1;
	s7 =	smul.u32 $0xC800, s7  }
0x8: {  	[smem:$0x7FF] =	sst s2;
	s10 =	sadd.s32 $0x400, s0;
	s9 =	smul.u32 $0x6400, s1  }
0x9: {  	s3 =	sor.u32 s1, s3;
	s6 =	ssub.s32 $0x2, s1;
	s1 =	smul.u32 $0xC800, s1  }
0xa: {  	_ =	strace $0x80000047;
	[dreg:$0x2] =	wrdreg s10;
	s4 =	smul.u32 $0x6400, s3  }
0xb: {  	s3 =	sadd.s32 $0xF5B800, s0;
	s0 =	sadd.s32 $0x19400, s0;
	s8 =	sshrl.u32 s6, $0x1  }
0xc: {  	s6 =	ssub.s32 s6, s8;
	s21 =	sadd.s32 s5, s0;
	s22 =	sadd.s32 s9, s7  }
0xd: {  	s5 =	simm.s32 $0x2;
	s8 =	simm.s32 $0x5A00;
	s4 =	sshrl.u32 s4, $0x3  }
0xe: {  	s6 =	smax.u32 s6, $0x1;
	s7 =	sadd.s32 s1, s21;
	s23 =	sadd.s32 $0x500, s22  }
0xf: {  	s24 =	sadd.s32 $0xA00, s22;
	s21 =	simm.s32 $0x780;
	[dreg:$0x4] =	wrdreg s6  }
0x10: {  	s22 =	simm.s32 $0x8200;
	s4 =	sadd.s32 s10, s4;
	[dreg:$0x5] =	wrdreg s24  }
.Ltmp0:
0x11: {  	s25 =	sshll.u32 s23, $0x1;
	s1 =	sshrl.u32 s23, $0x3;
	(pc) =	sbr.rel .LBB2_1-.Ltmp0, $4  }
0x12: {  	s6 =	simm.s32 $0x6;
	s23 =	simm.s32 $0x800;
	s24 =	simm.s32 $0x8A00  }
0x13: {  	[dreg:$0x3] =	wrdreg s4;
	s9 =	sadd.s32 s25, s0;
	s26 =	sadd.s32 s1, s10  }
0x14: {  	s1 =	simm.s32 $0x3;
	s25 =	simm.s32 $0x880;
	s0 =	simm.s32 $0x4  }
0x15: {  	s10 =	simm.s32 $0x0;
	[dreg:$0x6] =	wrdreg s26;
	s26 =	simm.s32 $0x9200  }
.LBB2_7:
0x16: {  	s4 =	simm.s32 $0x5  }
0x17: {  	_ =	swait.ge [sflag:s4], $0x5000  }
0x18: {  	[sflag:s4] =	ssyncset.done $0x0  }
0x19: {  	[sflag:s4] =	ssyncadd.s32 $0xFFFFB000  }
0x1a: {  	_ =	swait.ge [sflag:s6], $0x5000  }
0x1b: {  	s10 =	rddreg [dreg:$0x7]  }
0x1c: {  	s18 =	rddreg [dreg:$0x4];
	s10 =	sadd.s32 $0x1, s10  }
0x1d: {  	p0 =	sne.s32 s10, s18  }
.Ltmp1:
0x1e: {  	_ = 	snop;
	(pc) =	sbr.rel @!p0 .LBB2_8-.Ltmp1, $3  }
0x1f: {  	_ =	sdelay $0x1  }
0x20: {  	[sflag:s6] =	ssyncset.done $0x0  }
0x21: {  	[sflag:s6] =	ssyncadd.s32 $0xFFFFB000  }
.LBB2_1:
.Ltmp2:
0x22: {  	[dreg:$0x7] =	wrdreg s10;
	(pc) =	sbr.rel .LBB2_2-.Ltmp2, $4  }
0x23: {  	s4 =	rddreg [dreg:$0x3]  }
0x24: {  	s10 =	rddreg [dreg:$0x6]  }
0x25: {  	[tilespmem:s2], [sflag:$0x1] =	stream.linear.gather [hbm4b:s4+s2], $0x500, $0x38;
	[tilespmem:$0xAA00] =	vst v63  }
0x26: {  	s15 =	simm.s32 $0x0;
	s4 =	rddreg [dreg:$0x5]  }
.LBB2_3:
0x27: {  	_ =	swait.ge [sflag:s5], $0x500  }
0x28: {  	[sflag:s5] =	ssyncset.done $0x0  }
0x29: {  	[sflag:s5] =	ssyncadd.s32 $0xFFFFFB00  }
.LBB2_5:
0x2a: {  	_ =	swait.ge [sflag:s6], $0x5000  }
0x2b: {  	[sflag:s6] =	ssyncset.done $0x0  }
0x2c: {  	[sflag:s6] =	ssyncadd.s32 $0xFFFFB000  }
.LBB2_6:
0x2d: {  	[tilespmem:s8], [sflag:$0x4] =	stream.indirect.gather [hbm4b:s3+s13], $0x10, s11, s13, $0xb8;
	[tilespmem:$0xAA00] =	vst v63  }
0x2e: {  	s16 =	simm.s32 $0x580;
	s18 =	simm.s32 $0x6200  }
0x2f: {  	[tilespmem:s18], [sflag:$0x4] =	stream.indirect.gather [hbm4b:s3+s13], $0x10, s16, s13, $0xb8;
	[tilespmem:$0xAA00] =	vst v63  }
0x30: {  	s16 =	simm.s32 $0x600;
	s18 =	simm.s32 $0x6A00  }
0x31: {  	[tilespmem:s18], [sflag:$0x4] =	stream.indirect.gather [hbm4b:s3+s13], $0x10, s16, s13, $0xb8;
	[tilespmem:$0xAA00] =	vst v63  }
0x32: {  	s16 =	simm.s32 $0x680;
	s18 =	simm.s32 $0x7200  }
0x33: {  	[tilespmem:s18], [sflag:$0x4] =	stream.indirect.gather [hbm4b:s3+s13], $0x10, s16, s13, $0xb8;
	[tilespmem:$0xAA00] =	vst v63  }
0x34: {  	_ = 	snop  }
0x35: {  	[tilespmem:s20], [sflag:$0x4] =	stream.indirect.gather [hbm4b:s3+s13], $0x10, s19, s13, $0xb8;
	[tilespmem:$0xAA00] =	vst v63  }
0x36: {  	_ = 	snop  }
0x37: {  	[tilespmem:s22], [sflag:$0x4] =	stream.indirect.gather [hbm4b:s3+s13], $0x10, s21, s13, $0xb8;
	[tilespmem:$0xAA00] =	vst v63  }
0x38: {  	_ = 	snop  }
0x39: {  	[tilespmem:s24], [sflag:$0x4] =	stream.indirect.gather [hbm4b:s3+s13], $0x10, s23, s13, $0xb8;
	[tilespmem:$0xAA00] =	vst v63  }
0x3a: {  	_ = 	snop  }
0x3b: {  	[tilespmem:s26], [sflag:$0x4] =	stream.indirect.gather [hbm4b:s3+s13], $0x10, s25, s13, $0xb8;
	[tilespmem:$0xAA00] =	vst v63  }
0x3c: {  	_ = 	snop  }
0x3d: {  	[tilespmem:s29], [sflag:$0x4] =	stream.indirect.gather [hbm4b:s3+s13], $0x10, s28, s13, $0xb8;
	[tilespmem:$0xAA00] =	vst v63  }
0x3e: {  	_ = 	snop  }
0x3f: {  	[tilespmem:s31], [sflag:$0x4] =	stream.indirect.gather [hbm4b:s3+s13], $0x10, s30, s13, $0xb8;
	[tilespmem:$0xAA00] =	vst v63  }
0x40: {  	_ =	swait.ge [sflag:s0], $0x800  }
0x41: {  	[sflag:s0] =	ssyncset.done $0x0  }
0x42: {  	[sflag:s0] =	ssyncadd.s32 $0xFFFFF800  }
0x43: {  	_ =	swait.ge [sflag:s0], $0x800  }
0x44: {  	[sflag:s0] =	ssyncset.done $0x0  }
0x45: {  	[sflag:s0] =	ssyncadd.s32 $0xFFFFF800  }
0x46: {  	_ =	swait.ge [sflag:s0], $0x800  }
0x47: {  	[sflag:s0] =	ssyncset.done $0x0  }
0x48: {  	[sflag:s0] =	ssyncadd.s32 $0xFFFFF800  }
0x49: {  	_ =	swait.ge [sflag:s0], $0x800  }
0x4a: {  	[sflag:s0] =	ssyncset.done $0x0  }
0x4b: {  	[sflag:s0] =	ssyncadd.s32 $0xFFFFF800  }
0x4c: {  	_ =	swait.ge [sflag:s0], $0x800  }
0x4d: {  	[sflag:s0] =	ssyncset.done $0x0  }
0x4e: {  	[sflag:s0] =	ssyncadd.s32 $0xFFFFF800  }
0x4f: {  	_ =	swait.ge [sflag:s0], $0x800  }
0x50: {  	[sflag:s0] =	ssyncset.done $0x0  }
0x51: {  	[sflag:s0] =	ssyncadd.s32 $0xFFFFF800  }
0x52: {  	_ =	swait.ge [sflag:s0], $0x800  }
0x53: {  	[sflag:s0] =	ssyncset.done $0x0  }
0x54: {  	[sflag:s0] =	ssyncadd.s32 $0xFFFFF800  }
0x55: {  	_ =	swait.ge [sflag:s0], $0x800  }
0x56: {  	[sflag:s0] =	ssyncset.done $0x0  }
0x57: {  	[sflag:s0] =	ssyncadd.s32 $0xFFFFF800  }
0x58: {  	s18 =	sadd.s32 s15, s9;
	s15 =	sadd.s32 $0x1400, s15;
	_ =	swait.ge [sflag:s0], $0x800  }
0x59: {  	p0 =	sne.s32 s15, $0xC800;
	[sflag:s0] =	ssyncset.done $0x0  }
.Ltmp3:
0x5a: {  	[sflag:s0] =	ssyncadd.s32 $0xFFFFF800;
	(pc) =	sbr.rel @!p0 .LBB2_7-.Ltmp3, $4  }
0x5b: {  	_ =	swait.ge [sflag:s0], $0x800  }
0x5c: {  	[sflag:s0] =	ssyncset.done $0x0  }
0x5d: {  	s4 =	sadd.s32 $0xA00, s4;
	s10 =	sadd.s32 $0x140, s10;
	[sflag:s0] =	ssyncadd.s32 $0xFFFFF800  }
0x5e: {  	[hbm4b:s18+s2] =	stream.linear.scatter [tilespmem:s8], [sflag:$0x6], $0x5000, $0x38;
	[tilespmem:$0xAA00] =	vst v63  }
.LBB2_2:
0x5f: {  	[tilespmem:s11], [sflag:$0x2] =	stream.linear.gather [hbm4b:s10+s2], $0x500, $0x38;
	[tilespmem:$0xAA00] =	vst v63  }
0x60: {  	_ =	swait.ge [sflag:s12], $0x500  }
0x61: {  	p0 =	seq.s32 s15, $0x0;
	[sflag:s12] =	ssyncset.done $0x0  }
0x62: {  	s16 =	simm.s32 @!p0 $0x5;
	[sflag:s12] =	ssyncadd.s32 $0xFFFFFB00  }
0x63: {  	_ =	swait.ge @!p0 [sflag:s16], $0x5000  }
0x64: {  	[sflag:s16] =	ssyncset.done @!p0 $0x0  }
0x65: {  	[sflag:s16] =	ssyncadd.s32 @!p0 $0xFFFFB000  }
0x66: {  	[tilespmem:s14], [sflag:$0x3] =	stream.indirect.gather [hbm4b:s3+s13], $0x10, s2, s13, $0xb8;
	[tilespmem:$0xAA00] =	vst v63  }
0x67: {  	_ = 	snop  }
0x68: {  	[tilespmem:s17], [sflag:$0x3] =	stream.indirect.gather [hbm4b:s3+s13], $0x10, s13, s13, $0xb8;
	[tilespmem:$0xAA00] =	vst v63  }
0x69: {  	s18 =	simm.s32 $0x1A00;
	s16 =	simm.s32 $0x100  }
0x6a: {  	[tilespmem:s18], [sflag:$0x3] =	stream.indirect.gather [hbm4b:s3+s13], $0x10, s16, s13, $0xb8;
	[tilespmem:$0xAA00] =	vst v63  }
0x6b: {  	s16 =	simm.s32 $0x180;
	s18 =	simm.s32 $0x2200  }
0x6c: {  	[tilespmem:s18], [sflag:$0x3] =	stream.indirect.gather [hbm4b:s3+s13], $0x10, s16, s13, $0xb8;
	[tilespmem:$0xAA00] =	vst v63  }
0x6d: {  	s16 =	simm.s32 $0x200;
	s18 =	simm.s32 $0x2A00  }
0x6e: {  	[tilespmem:s18], [sflag:$0x3] =	stream.indirect.gather [hbm4b:s3+s13], $0x10, s16, s13, $0xb8;
	[tilespmem:$0xAA00] =	vst v63  }
0x6f: {  	s16 =	simm.s32 $0x280;
	s18 =	simm.s32 $0x3200  }
0x70: {  	[tilespmem:s18], [sflag:$0x3] =	stream.indirect.gather [hbm4b:s3+s13], $0x10, s16, s13, $0xb8;
	[tilespmem:$0xAA00] =	vst v63  }
0x71: {  	s16 =	simm.s32 $0x300;
	s18 =	simm.s32 $0x3A00  }
0x72: {  	[tilespmem:s18], [sflag:$0x3] =	stream.indirect.gather [hbm4b:s3+s13], $0x10, s16, s13, $0xb8;
	[tilespmem:$0xAA00] =	vst v63  }
0x73: {  	s16 =	simm.s32 $0x380;
	s18 =	simm.s32 $0x4200  }
0x74: {  	[tilespmem:s18], [sflag:$0x3] =	stream.indirect.gather [hbm4b:s3+s13], $0x10, s16, s13, $0xb8;
	[tilespmem:$0xAA00] =	vst v63  }
0x75: {  	s16 =	simm.s32 $0x400;
	s18 =	simm.s32 $0x4A00  }
0x76: {  	[tilespmem:s18], [sflag:$0x3] =	stream.indirect.gather [hbm4b:s3+s13], $0x10, s16, s13, $0xb8;
	[tilespmem:$0xAA00] =	vst v63  }
0x77: {  	s16 =	simm.s32 $0x480;
	s18 =	simm.s32 $0x5200  }
0x78: {  	[tilespmem:s18], [sflag:$0x3] =	stream.indirect.gather [hbm4b:s3+s13], $0x10, s16, s13, $0xb8;
	[tilespmem:$0xAA00] =	vst v63  }
0x79: {  	_ =	swait.ge [sflag:s1], $0x800  }
0x7a: {  	[sflag:s1] =	ssyncset.done $0x0  }
0x7b: {  	[sflag:s1] =	ssyncadd.s32 $0xFFFFF800  }
0x7c: {  	_ =	swait.ge [sflag:s1], $0x800  }
0x7d: {  	[sflag:s1] =	ssyncset.done $0x0  }
0x7e: {  	[sflag:s1] =	ssyncadd.s32 $0xFFFFF800  }
0x7f: {  	_ =	swait.ge [sflag:s1], $0x800  }
0x80: {  	[sflag:s1] =	ssyncset.done $0x0  }
0x81: {  	[sflag:s1] =	ssyncadd.s32 $0xFFFFF800  }
0x82: {  	_ =	swait.ge [sflag:s1], $0x800  }
0x83: {  	[sflag:s1] =	ssyncset.done $0x0  }
0x84: {  	[sflag:s1] =	ssyncadd.s32 $0xFFFFF800  }
0x85: {  	_ =	swait.ge [sflag:s1], $0x800  }
0x86: {  	[sflag:s1] =	ssyncset.done $0x0  }
0x87: {  	[sflag:s1] =	ssyncadd.s32 $0xFFFFF800  }
0x88: {  	_ =	swait.ge [sflag:s1], $0x800  }
0x89: {  	[sflag:s1] =	ssyncset.done $0x0  }
0x8a: {  	[sflag:s1] =	ssyncadd.s32 $0xFFFFF800  }
0x8b: {  	_ =	swait.ge [sflag:s1], $0x800  }
0x8c: {  	[sflag:s1] =	ssyncset.done $0x0  }
0x8d: {  	[sflag:s1] =	ssyncadd.s32 $0xFFFFF800  }
0x8e: {  	_ =	swait.ge [sflag:s1], $0x800  }
0x8f: {  	[sflag:s1] =	ssyncset.done $0x0  }
0x90: {  	[sflag:s1] =	ssyncadd.s32 $0xFFFFF800  }
0x91: {  	_ =	swait.ge [sflag:s1], $0x800  }
0x92: {  	p1 =	sne.s32 s15, $0xB400;
	[sflag:s1] =	ssyncset.done $0x0  }
.Ltmp4:
0x93: {  	[sflag:s1] =	ssyncadd.s32 $0xFFFFF800;
	(pc) =	sbr.rel @!p1 .LBB2_3-.Ltmp4, $4  }
0x94: {  	_ =	swait.ge [sflag:s1], $0x800  }
0x95: {  	[sflag:s1] =	ssyncset.done $0x0  }
0x96: {  	s18 =	sadd.s32 s15, s7;
	[sflag:s1] =	ssyncadd.s32 $0xFFFFF800  }
0x97: {  	[hbm4b:s18+s2] =	stream.linear.scatter [tilespmem:s14], [sflag:$0x5], $0x5000, $0x38;
	[tilespmem:$0xAA00] =	vst v63  }
0x98: {  	s16 =	sshrl.u32 s4, $0x3;
	s17 =	rddreg [dreg:$0x2]  }
0x99: {  	s16 =	sadd.s32 s17, s16  }
0x9a: {  	[tilespmem:s2], [sflag:$0x1] =	stream.linear.gather [hbm4b:s16+s2], $0x500, $0x38;
	[tilespmem:$0xAA00] =	vst v63  }
.Ltmp5:
0x9b: {  	_ = 	snop;
	(pc) =	sbr.rel @!p0 .LBB2_5-.Ltmp5, $4  }
.Ltmp6:
0x9c: {  	_ = 	snop;
	(pc) =	sbr.rel @p0 .LBB2_6-.Ltmp6, $4  }
0x9d: {  	_ =	swait.ge [sflag:s5], $0x500  }
0x9e: {  	[sflag:s5] =	ssyncset.done $0x0  }
0x9f: {  	s17 =	simm.s32 $0x1200;
	[sflag:s5] =	ssyncadd.s32 $0xFFFFFB00  }
0xa0: {  	_ = 	snop  }
.LBB2_8:
0xa1: {  	_ =	sfence.sel $0x180000  }
0xa2: {  	[bflag:$0x0] =	sbarrier.arrive $0xFFFF  }
0xa3: {  	_ =	strace $0x90000047  }
0xa4: {  	s0 =	stileid.u32;
	[bflag:$0x2] =	sbarrier.arrive $0xFFFF  }
0xa5: {  	p0 =	sne.s32 s0, $0x0;
	s0 =	rddreg [dreg:$0x1]  }
0xa6: {  	s0 =	sadd.s32 @!p0 $0x100000, s0  }
0xa7: {  	[sflag:s0] =	ssyncadd.tile.s32 @!p0 $0x1;
	_ =	shalt  }
.Lfunc_end2:
_tile_overlayer_lowered:
.L_overlay_start_2:
0xa8: {  	(tag) =	ssettag $0x2  }
0xa9: {  	s0 =	rddreg [dreg:$0x0];
	s2 =	stileid.u32  }
0xaa: {  	s1 =	rddreg [dreg:$0x1];
	p0 =	sne.s32 s2, $0x0  }
0xab: {  	s3 =	rddreg [dreg:$0x2];
	[bflag:$0x3] =	sbarrier.arrive $0xFFFF;
	s2 =	simm.s32 @!p0 $0x1C07  }
0xac: {  	[timem:s3], [sflag:s2] =	dma.local @!p0 [hbm:s0], s1  }
0xad: {  	s0 =	simm.s32 @!p0 $0x7  }
0xae: {  	_ =	swait.ge @!p0 [sflag:s0], s1  }
0xaf: {  	s1 =	ssub.s32 @!p0 $0x0, s1;
	[sflag:s0] =	ssyncset.done @!p0 $0x0  }
0xb0: {  	[sflag:s0] =	ssyncadd.s32 @!p0 s1  }
0xb1: {  	[bflag:$0x3] =	sbarrier.arrive $0xFFFF  }
0xb2: {  	_ =	shalt  }

</sc_bundles>
